<compile_context>
chip_gen: v7x
topology: tpu7x:2x2x1
jax: 0.10.2.dev20260603
libtpu: 0.0.44.dev20260713+nightly
codegen_flags: <defaults>
</compile_context>

<pallas_src>
import functools
import math

import jax
import jax.numpy as jnp
from jax import lax
from jax.experimental import pallas as pl
from jax.experimental.pallas import tpu as pltpu
from jax.experimental.pallas import tpu_sc as plsc

_D = 64
_SCALE = math.sqrt(_D)
_NC, _NS, _L = 2, 16, 16
_NW = _NC * _NS


def _embed(x3, lut):
    nt = x3.shape[0]

    mesh = plsc.VectorSubcoreMesh(
        core_axis_name="c", subcore_axis_name="s", num_cores=_NC, num_subcores=_NS
    )

    @functools.partial(
        pl.kernel,
        mesh=mesh,
        compiler_params=pltpu.CompilerParams(
            use_tc_tiling_on_sc=False, needs_layout_passes=False
        ),
        out_type=jax.ShapeDtypeStruct((nt, 8, _NW, 8, 128), jnp.float32),
        scratch_types=[
            pltpu.VMEM((nt, 128), jnp.int32),
            pltpu.VMEM((128, _D), jnp.float32),
            pltpu.VMEM((128, _D), jnp.float32),
            pltpu.VMEM((128, _D), jnp.float32),
            pltpu.VMEM((128, _D), jnp.float32),
            pltpu.VMEM((8, 8, 129), jnp.float32),
            pltpu.VMEM((8, 8, 129), jnp.float32),
            pltpu.VMEM((8, 8, 129), jnp.float32),
            pltpu.VMEM((8, 8, 129), jnp.float32),
            pltpu.SemaphoreType.DMA,
            pltpu.SemaphoreType.DMA,
            pltpu.SemaphoreType.DMA,
            pltpu.SemaphoreType.DMA,
            pltpu.SemaphoreType.DMA,
            pltpu.SemaphoreType.DMA,
            pltpu.SemaphoreType.DMA,
            pltpu.SemaphoreType.DMA,
        ],
    )
    def body(
        x_hbm, lut_hbm, out_hbm, idx_v,
        g0, g1, g2, g3, o0, o1, o2, o3,
        gs0, gs1, gs2, gs3, os0, os1, os2, os3,
    ):
        wid = lax.axis_index("s") * _NC + lax.axis_index("c")
        pltpu.sync_copy(x_hbm.at[:, wid], idx_v)
        gbufs = [g0, g1, g2, g3]
        gsems = [gs0, gs1, gs2, gs3]
        obufs = [o0, o1, o2, o3]
        osems = [os0, os1, os2, os3]

        _j = lax.iota(jnp.int32, _L)

        def transpose_scale(g, o):
            @plsc.parallel_loop(0, 128, unroll=2)
            def trans_l(l):
                lvec = jnp.full((_L,), l, jnp.int32)
                for dg in range(_D // _L):
                    v = g[l, pl.ds(dg * _L, _L)]
                    d = dg * _L + _j
                    plsc.store_scatter(
                        o, [d // 8, lax.rem(d, 8), lvec], v * _SCALE
                    )

        def fire(i, b):
            pltpu.async_copy(lut_hbm.at[idx_v.at[i]], gbufs[b], gsems[b])

        def phase(i, b, fire_next, drain_out):
            if fire_next is None:
                fire(i + 3, (b + 3) % 4)
            else:
                @pl.when(fire_next)
                def _():
                    fire(i + 3, (b + 3) % 4)

            pltpu.make_async_copy(
                lut_hbm.at[idx_v.at[i]], gbufs[b], gsems[b]
            ).wait()

            o, os = obufs[b], osems[b]
            osrc = o.at[:, :, pl.ds(0, 128)]
            @pl.when(drain_out)
            def _():
                pltpu.make_async_copy(
                    osrc, out_hbm.at[i - 4, :, wid], os
                ).wait()

            transpose_scale(gbufs[b], o)
            pltpu.async_copy(osrc, out_hbm.at[i, :, wid], os)

        def k_body(k, carry):
            i = 4 * k
            phase(i, 0, None, k >= 1)
            phase(i + 1, 1, k < nt // 4 - 1, k >= 1)
            phase(i + 2, 2, k < nt // 4 - 1, k >= 1)
            phase(i + 3, 3, k < nt // 4 - 1, k >= 1)
            return carry

        fire(0, 0)
        fire(1, 1)
        fire(2, 2)
        lax.fori_loop(0, nt // 4, k_body, 0)
        for b, ob, osb in ((0, o0, os0), (1, o1, os1), (2, o2, os2), (3, o3, os3)):
            pltpu.make_async_copy(
                ob.at[:, :, pl.ds(0, 128)],
                out_hbm.at[nt - 4 + b, :, wid],
                osb,
            ).wait()

    return body(x3, lut)


def kernel(x, lut):
    bs, t = x.shape
    x3 = x.T.reshape(t, bs // 128, 128).astype(jnp.int32)
    out5d = _embed(x3, lut)
    return out5d.transpose(2, 4, 0, 1, 3).reshape(bs, t, _D)

# --- scband reference (transcript-rebuilt; emitter-appended) ---
"""Pipeline reference for scband-embeddings-25262997636046 (READ-ONLY COPY).

The authoritative reference and input builder live on the scoring server;
editing this copy changes nothing except your own understanding.
"""

import jax, jax.numpy as jnp
import numpy as np
import math

D_MODEL = 64
VOCAB = 1000000

def setup_inputs(seed: int = 0) -> dict:
    key = jax.random.key(seed)
    k1, k2 = jax.random.split(key)
    x = jax.random.randint(k1, (4096, 200), 0, VOCAB, dtype=jnp.int64) if jax.config.jax_enable_x64 else jax.random.randint(k1, (4096, 200), 0, VOCAB, dtype=jnp.int32)
    lut = jax.random.normal(k2, (VOCAB, D_MODEL), dtype=jnp.float32)
    return {"x": x, "lut": lut}

def reference(x, lut):
    # Embeddings.forward: self.lut(x) * sqrt(d_model)
    emb = jnp.take(lut, x, axis=0)
    return emb * math.sqrt(D_MODEL)

if __name__ == "__main__":
    import jax
    _d = setup_inputs()
    print(jax.jit(kernel)(*tuple(_d.values())))

</pallas_src>

<mosaic_0001>
#map = affine_map<(d0, d1) -> (0, 0, 0)>
#map1 = affine_map<(d0, d1) -> (0, 0)>
#map2 = affine_map<(d0, d1) -> (0, 0, 0, 0, 0)>
module attributes {stable_mosaic.version = 14 : i64} {
  func.func @body(%arg0: i32, %arg1: i32, %arg2: memref<200x32x128xi32, #tpu.memory_space<hbm>>, %arg3: memref<1000000x64xf32, #tpu.memory_space<hbm>>, %arg4: memref<200x8x32x8x128xf32, #tpu.memory_space<hbm>>, %arg5: memref<200x128xi32, #tpu.memory_space<vmem>>, %arg6: memref<128x64xf32, #tpu.memory_space<vmem>>, %arg7: memref<128x64xf32, #tpu.memory_space<vmem>>, %arg8: memref<128x64xf32, #tpu.memory_space<vmem>>, %arg9: memref<128x64xf32, #tpu.memory_space<vmem>>, %arg10: memref<8x8x129xf32, #tpu.memory_space<vmem>>, %arg11: memref<8x8x129xf32, #tpu.memory_space<vmem>>, %arg12: memref<8x8x129xf32, #tpu.memory_space<vmem>>, %arg13: memref<8x8x129xf32, #tpu.memory_space<vmem>>, %arg14: memref<!tpu.dma_semaphore, #tpu.memory_space<semaphore_mem>>, %arg15: memref<!tpu.dma_semaphore, #tpu.memory_space<semaphore_mem>>, %arg16: memref<!tpu.dma_semaphore, #tpu.memory_space<semaphore_mem>>, %arg17: memref<!tpu.dma_semaphore, #tpu.memory_space<semaphore_mem>>, %arg18: memref<!tpu.dma_semaphore, #tpu.memory_space<semaphore_mem>>, %arg19: memref<!tpu.dma_semaphore, #tpu.memory_space<semaphore_mem>>, %arg20: memref<!tpu.dma_semaphore, #tpu.memory_space<semaphore_mem>>, %arg21: memref<!tpu.dma_semaphore, #tpu.memory_space<semaphore_mem>>) attributes {dimension_semantics = [#tpu.dimension_semantics<core_parallel>, #tpu.dimension_semantics<subcore_parallel>], iteration_bounds = array<i64: 2, 16>, scalar_prefetch = 0 : i64, scratch_operands = 17 : i64, tpu.core_type = #tpu.core_type<sc_vector_subcore>, window_params = [{transform_indices = #map}, {transform_indices = #map1}, {transform_indices = #map2}]} {
    %mul3A = arith.constant 2 : i32
    %mul3A_0 = arith.muli %arg1, %mul3A : i32
    %add3A = arith.addi %mul3A_0, %arg0 : i32
    "tpu.region"() ({
      %run_scoped3A = tpu.sem_alloc : memref<!tpu.dma_semaphore, #tpu.memory_space<semaphore_mem>>
      %dma_start3A_101 = arith.constant 0 : i32
      %dma_start3A_102 = arith.constant 0 : i32
      %dma_start3A_103 = tpu.memref_slice %arg2[%dma_start3A_101, %add3A, %dma_start3A_102] : memref<200x32x128xi32, #tpu.memory_space<hbm>> -> memref<200x1x128xi32, #tpu.memory_space<hbm>>
      %dma_start3A_104 = tpu.memref_squeeze %dma_start3A_103 : memref<200x1x128xi32, #tpu.memory_space<hbm>> -> memref<200x128xi32, #tpu.memory_space<hbm>>
      %dma_start3A_105 = arith.constant 0 : i32
      %dma_start3A_106 = arith.constant 0 : i32
      %dma_start3A_107 = tpu.memref_slice %arg2[%dma_start3A_105, %add3A, %dma_start3A_106] : memref<200x32x128xi32, #tpu.memory_space<hbm>> -> memref<200x1x128xi32, #tpu.memory_space<hbm>>
      %dma_start3A_108 = tpu.memref_squeeze %dma_start3A_107 : memref<200x1x128xi32, #tpu.memory_space<hbm>> -> memref<200x128xi32, #tpu.memory_space<hbm>>
      tpu.enqueue_dma source(%dma_start3A_108 : memref<200x128xi32, #tpu.memory_space<hbm>>) target(%arg5 : memref<200x128xi32, #tpu.memory_space<vmem>>) target_semaphore(%run_scoped3A : memref<!tpu.dma_semaphore, #tpu.memory_space<semaphore_mem>>)
      %dma_wait3A_109 = arith.constant 0 : i32
      %dma_wait3A_110 = arith.constant 0 : i32
      %dma_wait3A_111 = tpu.memref_slice %arg2[%dma_wait3A_109, %add3A, %dma_wait3A_110] : memref<200x32x128xi32, #tpu.memory_space<hbm>> -> memref<200x1x128xi32, #tpu.memory_space<hbm>>
      %dma_wait3A_112 = tpu.memref_squeeze %dma_wait3A_111 : memref<200x1x128xi32, #tpu.memory_space<hbm>> -> memref<200x128xi32, #tpu.memory_space<hbm>>
      %dma_wait3A_113 = arith.constant 0 : i32
      %dma_wait3A_114 = arith.constant 0 : i32
      %dma_wait3A_115 = tpu.memref_slice %arg2[%dma_wait3A_113, %add3A, %dma_wait3A_114] : memref<200x32x128xi32, #tpu.memory_space<hbm>> -> memref<200x1x128xi32, #tpu.memory_space<hbm>>
      %dma_wait3A_116 = tpu.memref_squeeze %dma_wait3A_115 : memref<200x1x128xi32, #tpu.memory_space<hbm>> -> memref<200x128xi32, #tpu.memory_space<hbm>>
      tpu.wait_dma2 semaphore(%run_scoped3A : memref<!tpu.dma_semaphore, #tpu.memory_space<semaphore_mem>>) src(%dma_wait3A_116 : memref<200x128xi32, #tpu.memory_space<hbm>>) dst(%arg5 : memref<200x128xi32, #tpu.memory_space<vmem>>)
      tpu.yield
    }) : () -> ()
    %iota3A = tpu.iota {dimensions = array<i32: 0>} : vector<16xi32>
    %dma_start3A = arith.constant 0 : i32
    %dma_start3A_1 = arith.constant 0 : i32
    %dma_start3A_2 = tpu.memref_slice %arg5[%dma_start3A, %dma_start3A_1] : memref<200x128xi32, #tpu.memory_space<vmem>> -> memref<1x128xi32, #tpu.memory_space<vmem>>
    %dma_start3A_3 = tpu.memref_squeeze %dma_start3A_2 : memref<1x128xi32, #tpu.memory_space<vmem>> -> memref<128xi32, #tpu.memory_space<vmem>>
    %dma_start3A_4 = arith.constant 0 : i32
    %dma_start3A_5 = arith.constant 0 : i32
    %dma_start3A_6 = tpu.memref_slice %arg3[%dma_start3A_4, %dma_start3A_5] : memref<1000000x64xf32, #tpu.memory_space<hbm>> -> memref<1000000x64xf32, #tpu.memory_space<hbm>>
    tpu.enqueue_indirect_dma source(%dma_start3A_6 : memref<1000000x64xf32, #tpu.memory_space<hbm>>) target(%arg6 : memref<128x64xf32, #tpu.memory_space<vmem>>) offsets(%dma_start3A_3 : memref<128xi32, #tpu.memory_space<vmem>>) semaphore(%arg14 : memref<!tpu.dma_semaphore, #tpu.memory_space<semaphore_mem>>)
    %dma_start3A_7 = arith.constant 1 : i32
    %dma_start3A_8 = arith.constant 0 : i32
    %dma_start3A_9 = tpu.memref_slice %arg5[%dma_start3A_7, %dma_start3A_8] : memref<200x128xi32, #tpu.memory_space<vmem>> -> memref<1x128xi32, #tpu.memory_space<vmem>>
    %dma_start3A_10 = tpu.memref_squeeze %dma_start3A_9 : memref<1x128xi32, #tpu.memory_space<vmem>> -> memref<128xi32, #tpu.memory_space<vmem>>
    %dma_start3A_11 = arith.constant 0 : i32
    %dma_start3A_12 = arith.constant 0 : i32
    %dma_start3A_13 = tpu.memref_slice %arg3[%dma_start3A_11, %dma_start3A_12] : memref<1000000x64xf32, #tpu.memory_space<hbm>> -> memref<1000000x64xf32, #tpu.memory_space<hbm>>
    tpu.enqueue_indirect_dma source(%dma_start3A_13 : memref<1000000x64xf32, #tpu.memory_space<hbm>>) target(%arg7 : memref<128x64xf32, #tpu.memory_space<vmem>>) offsets(%dma_start3A_10 : memref<128xi32, #tpu.memory_space<vmem>>) semaphore(%arg15 : memref<!tpu.dma_semaphore, #tpu.memory_space<semaphore_mem>>)
    %dma_start3A_14 = arith.constant 2 : i32
    %dma_start3A_15 = arith.constant 0 : i32
    %dma_start3A_16 = tpu.memref_slice %arg5[%dma_start3A_14, %dma_start3A_15] : memref<200x128xi32, #tpu.memory_space<vmem>> -> memref<1x128xi32, #tpu.memory_space<vmem>>
    %dma_start3A_17 = tpu.memref_squeeze %dma_start3A_16 : memref<1x128xi32, #tpu.memory_space<vmem>> -> memref<128xi32, #tpu.memory_space<vmem>>
    %dma_start3A_18 = arith.constant 0 : i32
    %dma_start3A_19 = arith.constant 0 : i32
    %dma_start3A_20 = tpu.memref_slice %arg3[%dma_start3A_18, %dma_start3A_19] : memref<1000000x64xf32, #tpu.memory_space<hbm>> -> memref<1000000x64xf32, #tpu.memory_space<hbm>>
    tpu.enqueue_indirect_dma source(%dma_start3A_20 : memref<1000000x64xf32, #tpu.memory_space<hbm>>) target(%arg8 : memref<128x64xf32, #tpu.memory_space<vmem>>) offsets(%dma_start3A_17 : memref<128xi32, #tpu.memory_space<vmem>>) semaphore(%arg16 : memref<!tpu.dma_semaphore, #tpu.memory_space<semaphore_mem>>)
    %scan3A = arith.constant 0 : i32
    %scan3A_21 = arith.constant 0 : i32
    %scan3A_22 = arith.constant 50 : i32
    %scan3A_23 = arith.addi %scan3A_21, %scan3A_22 : i32
    %scan3A_24 = arith.constant 1 : i32
    scf.for %scan3A_101 = %scan3A_21 to %scan3A_23 step %scan3A_24  : i32 {
      %mul3A_102 = arith.constant 4 : i32
      %mul3A_103 = arith.muli %mul3A_102, %scan3A_101 : i32
      %ge3A = arith.constant 1 : i32
      %ge3A_104 = arith.cmpi sge, %scan3A_101, %ge3A : i32
      %add3A_105 = arith.constant 3 : i32
      %add3A_106 = arith.addi %mul3A_103, %add3A_105 : i32
      %dma_start3A_107 = arith.constant 0 : i32
      %dma_start3A_108 = tpu.memref_slice %arg5[%add3A_106, %dma_start3A_107] : memref<200x128xi32, #tpu.memory_space<vmem>> -> memref<1x128xi32, #tpu.memory_space<vmem>>
      %dma_start3A_109 = tpu.memref_squeeze %dma_start3A_108 : memref<1x128xi32, #tpu.memory_space<vmem>> -> memref<128xi32, #tpu.memory_space<vmem>>
      %dma_start3A_110 = arith.constant 0 : i32
      %dma_start3A_111 = arith.constant 0 : i32
      %dma_start3A_112 = tpu.memref_slice %arg3[%dma_start3A_110, %dma_start3A_111] : memref<1000000x64xf32, #tpu.memory_space<hbm>> -> memref<1000000x64xf32, #tpu.memory_space<hbm>>
      tpu.enqueue_indirect_dma source(%dma_start3A_112 : memref<1000000x64xf32, #tpu.memory_space<hbm>>) target(%arg9 : memref<128x64xf32, #tpu.memory_space<vmem>>) offsets(%dma_start3A_109 : memref<128xi32, #tpu.memory_space<vmem>>) semaphore(%arg17 : memref<!tpu.dma_semaphore, #tpu.memory_space<semaphore_mem>>)
      %dma_wait3A_113 = arith.constant 0 : i32
      %dma_wait3A_114 = tpu.memref_slice %arg5[%mul3A_103, %dma_wait3A_113] : memref<200x128xi32, #tpu.memory_space<vmem>> -> memref<1x128xi32, #tpu.memory_space<vmem>>
      %dma_wait3A_115 = tpu.memref_squeeze %dma_wait3A_114 : memref<1x128xi32, #tpu.memory_space<vmem>> -> memref<128xi32, #tpu.memory_space<vmem>>
      %dma_wait3A_116 = arith.constant 0 : i32
      %dma_wait3A_117 = arith.constant 0 : i32
      %dma_wait3A_118 = tpu.memref_slice %arg3[%dma_wait3A_116, %dma_wait3A_117] : memref<1000000x64xf32, #tpu.memory_space<hbm>> -> memref<1000000x64xf32, #tpu.memory_space<hbm>>
      tpu.wait_indirect_dma semaphore(%arg14 : memref<!tpu.dma_semaphore, #tpu.memory_space<semaphore_mem>>) src(%dma_wait3A_118 : memref<1000000x64xf32, #tpu.memory_space<hbm>>) dst(%arg6 : memref<128x64xf32, #tpu.memory_space<vmem>>)
      %convert_element_type3A = arith.extui %ge3A_104 : i1 to i32
      %cond3A = arith.constant 0 : i32
      %cond3A_119 = arith.cmpi ne, %convert_element_type3A, %cond3A : i32
      scf.if %cond3A_119 {
        %sub3A = arith.constant 4 : i32
        %sub3A_256 = arith.subi %mul3A_103, %sub3A : i32
        %dma_wait3A_257 = arith.constant 0 : i32
        %dma_wait3A_258 = arith.constant 0 : i32
        %dma_wait3A_259 = arith.constant 0 : i32
        %dma_wait3A_260 = tpu.memref_slice %arg10[%dma_wait3A_257, %dma_wait3A_258, %dma_wait3A_259] : memref<8x8x129xf32, #tpu.memory_space<vmem>> -> memref<8x8x128xf32, #tpu.memory_space<vmem>>
        %dma_wait3A_261 = arith.constant 0 : i32
        %dma_wait3A_262 = arith.constant 0 : i32
        %dma_wait3A_263 = arith.constant 0 : i32
        %dma_wait3A_264 = tpu.memref_slice %arg4[%sub3A_256, %dma_wait3A_261, %add3A, %dma_wait3A_262, %dma_wait3A_263] : memref<200x8x32x8x128xf32, #tpu.memory_space<hbm>> -> memref<1x8x1x8x128xf32, #tpu.memory_space<hbm>>
        %dma_wait3A_265 = tpu.memref_squeeze %dma_wait3A_264 : memref<1x8x1x8x128xf32, #tpu.memory_space<hbm>> -> memref<8x8x128xf32, #tpu.memory_space<hbm>>
        %dma_wait3A_266 = arith.constant 0 : i32
        %dma_wait3A_267 = arith.constant 0 : i32
        %dma_wait3A_268 = arith.constant 0 : i32
        %dma_wait3A_269 = tpu.memref_slice %arg4[%sub3A_256, %dma_wait3A_266, %add3A, %dma_wait3A_267, %dma_wait3A_268] : memref<200x8x32x8x128xf32, #tpu.memory_space<hbm>> -> memref<1x8x1x8x128xf32, #tpu.memory_space<hbm>>
        %dma_wait3A_270 = tpu.memref_squeeze %dma_wait3A_269 : memref<1x8x1x8x128xf32, #tpu.memory_space<hbm>> -> memref<8x8x128xf32, #tpu.memory_space<hbm>>
        %dma_wait3A_271 = arith.constant 0 : i32
        %dma_wait3A_272 = arith.constant 0 : i32
        %dma_wait3A_273 = arith.constant 0 : i32
        %dma_wait3A_274 = tpu.memref_slice %arg10[%dma_wait3A_271, %dma_wait3A_272, %dma_wait3A_273] : memref<8x8x129xf32, #tpu.memory_space<vmem>> -> memref<8x8x128xf32, #tpu.memory_space<vmem>>
        tpu.wait_dma2 semaphore(%arg18 : memref<!tpu.dma_semaphore, #tpu.memory_space<semaphore_mem>>) src(%dma_wait3A_274 : memref<8x8x128xf32, #tpu.memory_space<vmem>>) dst(%dma_wait3A_270 : memref<8x8x128xf32, #tpu.memory_space<hbm>>)
      } else {
      }
      %parallel_loop3A = arith.constant 0 : i32
      %parallel_loop3A_120 = arith.constant 128 : i32
      %parallel_loop3A_121 = arith.constant 1 : i32
      scf.for %parallel_loop3A_256 = %parallel_loop3A to %parallel_loop3A_120 step %parallel_loop3A_121  : i32 {
        %parallel_loop3A_257 = vector.broadcast %parallel_loop3A_256 : i32 to vector<16xi32>
        %parallel_loop3A_258 = arith.index_cast %parallel_loop3A_256 : i32 to index
        %parallel_loop3A_259 = arith.constant 0 : index
        %parallel_loop3A_260 = tpu.vector_load %arg6[%parallel_loop3A_258, %parallel_loop3A_259] {strides = array<i32>} : memref<128x64xf32, #tpu.memory_space<vmem>>, vector<16xf32>,
        %parallel_loop3A_261 = arith.constant 0 : i32
        %parallel_loop3A_262 = vector.broadcast %parallel_loop3A_261 : i32 to vector<16xi32>
        %parallel_loop3A_263 = arith.addi %parallel_loop3A_262, %iota3A : vector<16xi32>
        %parallel_loop3A_264 = arith.constant 8 : i32
        %parallel_loop3A_265 = vector.broadcast %parallel_loop3A_264 : i32 to vector<16xi32>
        %parallel_loop3A_266 = arith.divsi %parallel_loop3A_263, %parallel_loop3A_265 : vector<16xi32>
        %parallel_loop3A_267 = arith.constant 0 : i32
        %parallel_loop3A_268 = vector.broadcast %parallel_loop3A_267 : i32 to vector<16xi32>
        %parallel_loop3A_269 = arith.cmpi sgt, %parallel_loop3A_263, %parallel_loop3A_268 : vector<16xi32>
        %parallel_loop3A_270 = arith.extui %parallel_loop3A_269 : vector<16xi1> to vector<16xi32>
        %parallel_loop3A_271 = arith.constant 0 : i32
        %parallel_loop3A_272 = vector.broadcast %parallel_loop3A_271 : i32 to vector<16xi32>
        %parallel_loop3A_273 = arith.cmpi slt, %parallel_loop3A_263, %parallel_loop3A_272 : vector<16xi32>
        %parallel_loop3A_274 = arith.extui %parallel_loop3A_273 : vector<16xi1> to vector<16xi32>
        %parallel_loop3A_275 = arith.subi %parallel_loop3A_270, %parallel_loop3A_274 : vector<16xi32>
        %parallel_loop3A_276 = arith.constant 0 : i32
        %parallel_loop3A_277 = arith.cmpi sgt, %parallel_loop3A_264, %parallel_loop3A_276 : i32
        %parallel_loop3A_278 = arith.extui %parallel_loop3A_277 : i1 to i32
        %parallel_loop3A_279 = arith.constant 0 : i32
        %parallel_loop3A_280 = arith.cmpi slt, %parallel_loop3A_264, %parallel_loop3A_279 : i32
        %parallel_loop3A_281 = arith.extui %parallel_loop3A_280 : i1 to i32
        %parallel_loop3A_282 = arith.subi %parallel_loop3A_278, %parallel_loop3A_281 : i32
        %parallel_loop3A_283 = vector.broadcast %parallel_loop3A_282 : i32 to vector<16xi32>
        %parallel_loop3A_284 = arith.cmpi ne, %parallel_loop3A_275, %parallel_loop3A_283 : vector<16xi32>
        %parallel_loop3A_285 = vector.broadcast %parallel_loop3A_264 : i32 to vector<16xi32>
        %parallel_loop3A_286 = arith.remsi %parallel_loop3A_263, %parallel_loop3A_285 : vector<16xi32>
        %parallel_loop3A_287 = arith.constant 0 : i32
        %parallel_loop3A_288 = vector.broadcast %parallel_loop3A_287 : i32 to vector<16xi32>
        %parallel_loop3A_289 = arith.cmpi ne, %parallel_loop3A_286, %parallel_loop3A_288 : vector<16xi32>
        %parallel_loop3A_290 = arith.andi %parallel_loop3A_284, %parallel_loop3A_289 : vector<16xi1>
        %parallel_loop3A_291 = arith.constant 1 : i32
        %parallel_loop3A_292 = vector.broadcast %parallel_loop3A_291 : i32 to vector<16xi32>
        %parallel_loop3A_293 = arith.subi %parallel_loop3A_266, %parallel_loop3A_292 : vector<16xi32>
        %parallel_loop3A_294 = arith.select %parallel_loop3A_290, %parallel_loop3A_293, %parallel_loop3A_266 : vector<16xi1>, vector<16xi32>
        %parallel_loop3A_295 = arith.constant 8 : i32
        %parallel_loop3A_296 = vector.broadcast %parallel_loop3A_295 : i32 to vector<16xi32>
        %parallel_loop3A_297 = arith.remsi %parallel_loop3A_263, %parallel_loop3A_296 : vector<16xi32>
        %parallel_loop3A_298 = arith.constant 8.000000e+00 : f32
        %parallel_loop3A_299 = vector.broadcast %parallel_loop3A_298 : f32 to vector<16xf32>
        %parallel_loop3A_300 = arith.mulf %parallel_loop3A_260, %parallel_loop3A_299 : vector<16xf32>
        tpu.vector_store_idx %arg10[%parallel_loop3A_294, %parallel_loop3A_297, %parallel_loop3A_257], %parallel_loop3A_300 : memref<8x8x129xf32, #tpu.memory_space<vmem>>[vector<16xi32>, vector<16xi32>, vector<16xi32>], vector<16xf32>,
        %parallel_loop3A_301 = arith.index_cast %parallel_loop3A_256 : i32 to index
        %parallel_loop3A_302 = arith.constant 16 : index
        %parallel_loop3A_303 = tpu.vector_load %arg6[%parallel_loop3A_301, %parallel_loop3A_302] {strides = array<i32>} : memref<128x64xf32, #tpu.memory_space<vmem>>, vector<16xf32>,
        %parallel_loop3A_304 = arith.constant 16 : i32
        %parallel_loop3A_305 = vector.broadcast %parallel_loop3A_304 : i32 to vector<16xi32>
        %parallel_loop3A_306 = arith.addi %parallel_loop3A_305, %iota3A : vector<16xi32>
        %parallel_loop3A_307 = arith.constant 8 : i32
        %parallel_loop3A_308 = vector.broadcast %parallel_loop3A_307 : i32 to vector<16xi32>
        %parallel_loop3A_309 = arith.divsi %parallel_loop3A_306, %parallel_loop3A_308 : vector<16xi32>
        %parallel_loop3A_310 = arith.constant 0 : i32
        %parallel_loop3A_311 = vector.broadcast %parallel_loop3A_310 : i32 to vector<16xi32>
        %parallel_loop3A_312 = arith.cmpi sgt, %parallel_loop3A_306, %parallel_loop3A_311 : vector<16xi32>
        %parallel_loop3A_313 = arith.extui %parallel_loop3A_312 : vector<16xi1> to vector<16xi32>
        %parallel_loop3A_314 = arith.constant 0 : i32
        %parallel_loop3A_315 = vector.broadcast %parallel_loop3A_314 : i32 to vector<16xi32>
        %parallel_loop3A_316 = arith.cmpi slt, %parallel_loop3A_306, %parallel_loop3A_315 : vector<16xi32>
        %parallel_loop3A_317 = arith.extui %parallel_loop3A_316 : vector<16xi1> to vector<16xi32>
        %parallel_loop3A_318 = arith.subi %parallel_loop3A_313, %parallel_loop3A_317 : vector<16xi32>
        %parallel_loop3A_319 = arith.constant 0 : i32
        %parallel_loop3A_320 = arith.cmpi sgt, %parallel_loop3A_307, %parallel_loop3A_319 : i32
        %parallel_loop3A_321 = arith.extui %parallel_loop3A_320 : i1 to i32
        %parallel_loop3A_322 = arith.constant 0 : i32
        %parallel_loop3A_323 = arith.cmpi slt, %parallel_loop3A_307, %parallel_loop3A_322 : i32
        %parallel_loop3A_324 = arith.extui %parallel_loop3A_323 : i1 to i32
        %parallel_loop3A_325 = arith.subi %parallel_loop3A_321, %parallel_loop3A_324 : i32
        %parallel_loop3A_326 = vector.broadcast %parallel_loop3A_325 : i32 to vector<16xi32>
        %parallel_loop3A_327 = arith.cmpi ne, %parallel_loop3A_318, %parallel_loop3A_326 : vector<16xi32>
        %parallel_loop3A_328 = vector.broadcast %parallel_loop3A_307 : i32 to vector<16xi32>
        %parallel_loop3A_329 = arith.remsi %parallel_loop3A_306, %parallel_loop3A_328 : vector<16xi32>
        %parallel_loop3A_330 = arith.constant 0 : i32
        %parallel_loop3A_331 = vector.broadcast %parallel_loop3A_330 : i32 to vector<16xi32>
        %parallel_loop3A_332 = arith.cmpi ne, %parallel_loop3A_329, %parallel_loop3A_331 : vector<16xi32>
        %parallel_loop3A_333 = arith.andi %parallel_loop3A_327, %parallel_loop3A_332 : vector<16xi1>
        %parallel_loop3A_334 = arith.constant 1 : i32
        %parallel_loop3A_335 = vector.broadcast %parallel_loop3A_334 : i32 to vector<16xi32>
        %parallel_loop3A_336 = arith.subi %parallel_loop3A_309, %parallel_loop3A_335 : vector<16xi32>
        %parallel_loop3A_337 = arith.select %parallel_loop3A_333, %parallel_loop3A_336, %parallel_loop3A_309 : vector<16xi1>, vector<16xi32>
        %parallel_loop3A_338 = arith.constant 8 : i32
        %parallel_loop3A_339 = vector.broadcast %parallel_loop3A_338 : i32 to vector<16xi32>
        %parallel_loop3A_340 = arith.remsi %parallel_loop3A_306, %parallel_loop3A_339 : vector<16xi32>
        %parallel_loop3A_341 = arith.constant 8.000000e+00 : f32
        %parallel_loop3A_342 = vector.broadcast %parallel_loop3A_341 : f32 to vector<16xf32>
        %parallel_loop3A_343 = arith.mulf %parallel_loop3A_303, %parallel_loop3A_342 : vector<16xf32>
        tpu.vector_store_idx %arg10[%parallel_loop3A_337, %parallel_loop3A_340, %parallel_loop3A_257], %parallel_loop3A_343 : memref<8x8x129xf32, #tpu.memory_space<vmem>>[vector<16xi32>, vector<16xi32>, vector<16xi32>], vector<16xf32>,
        %parallel_loop3A_344 = arith.index_cast %parallel_loop3A_256 : i32 to index
        %parallel_loop3A_345 = arith.constant 32 : index
        %parallel_loop3A_346 = tpu.vector_load %arg6[%parallel_loop3A_344, %parallel_loop3A_345] {strides = array<i32>} : memref<128x64xf32, #tpu.memory_space<vmem>>, vector<16xf32>,
        %parallel_loop3A_347 = arith.constant 32 : i32
        %parallel_loop3A_348 = vector.broadcast %parallel_loop3A_347 : i32 to vector<16xi32>
        %parallel_loop3A_349 = arith.addi %parallel_loop3A_348, %iota3A : vector<16xi32>
        %parallel_loop3A_350 = arith.constant 8 : i32
        %parallel_loop3A_351 = vector.broadcast %parallel_loop3A_350 : i32 to vector<16xi32>
        %parallel_loop3A_352 = arith.divsi %parallel_loop3A_349, %parallel_loop3A_351 : vector<16xi32>
        %parallel_loop3A_353 = arith.constant 0 : i32
        %parallel_loop3A_354 = vector.broadcast %parallel_loop3A_353 : i32 to vector<16xi32>
        %parallel_loop3A_355 = arith.cmpi sgt, %parallel_loop3A_349, %parallel_loop3A_354 : vector<16xi32>
        %parallel_loop3A_356 = arith.extui %parallel_loop3A_355 : vector<16xi1> to vector<16xi32>
        %parallel_loop3A_357 = arith.constant 0 : i32
        %parallel_loop3A_358 = vector.broadcast %parallel_loop3A_357 : i32 to vector<16xi32>
        %parallel_loop3A_359 = arith.cmpi slt, %parallel_loop3A_349, %parallel_loop3A_358 : vector<16xi32>
        %parallel_loop3A_360 = arith.extui %parallel_loop3A_359 : vector<16xi1> to vector<16xi32>
        %parallel_loop3A_361 = arith.subi %parallel_loop3A_356, %parallel_loop3A_360 : vector<16xi32>
        %parallel_loop3A_362 = arith.constant 0 : i32
        %parallel_loop3A_363 = arith.cmpi sgt, %parallel_loop3A_350, %parallel_loop3A_362 : i32
        %parallel_loop3A_364 = arith.extui %parallel_loop3A_363 : i1 to i32
        %parallel_loop3A_365 = arith.constant 0 : i32
        %parallel_loop3A_366 = arith.cmpi slt, %parallel_loop3A_350, %parallel_loop3A_365 : i32
        %parallel_loop3A_367 = arith.extui %parallel_loop3A_366 : i1 to i32
        %parallel_loop3A_368 = arith.subi %parallel_loop3A_364, %parallel_loop3A_367 : i32
        %parallel_loop3A_369 = vector.broadcast %parallel_loop3A_368 : i32 to vector<16xi32>
        %parallel_loop3A_370 = arith.cmpi ne, %parallel_loop3A_361, %parallel_loop3A_369 : vector<16xi32>
        %parallel_loop3A_371 = vector.broadcast %parallel_loop3A_350 : i32 to vector<16xi32>
        %parallel_loop3A_372 = arith.remsi %parallel_loop3A_349, %parallel_loop3A_371 : vector<16xi32>
        %parallel_loop3A_373 = arith.constant 0 : i32
        %parallel_loop3A_374 = vector.broadcast %parallel_loop3A_373 : i32 to vector<16xi32>
        %parallel_loop3A_375 = arith.cmpi ne, %parallel_loop3A_372, %parallel_loop3A_374 : vector<16xi32>
        %parallel_loop3A_376 = arith.andi %parallel_loop3A_370, %parallel_loop3A_375 : vector<16xi1>
        %parallel_loop3A_377 = arith.constant 1 : i32
        %parallel_loop3A_378 = vector.broadcast %parallel_loop3A_377 : i32 to vector<16xi32>
        %parallel_loop3A_379 = arith.subi %parallel_loop3A_352, %parallel_loop3A_378 : vector<16xi32>
        %parallel_loop3A_380 = arith.select %parallel_loop3A_376, %parallel_loop3A_379, %parallel_loop3A_352 : vector<16xi1>, vector<16xi32>
        %parallel_loop3A_381 = arith.constant 8 : i32
        %parallel_loop3A_382 = vector.broadcast %parallel_loop3A_381 : i32 to vector<16xi32>
        %parallel_loop3A_383 = arith.remsi %parallel_loop3A_349, %parallel_loop3A_382 : vector<16xi32>
        %parallel_loop3A_384 = arith.constant 8.000000e+00 : f32
        %parallel_loop3A_385 = vector.broadcast %parallel_loop3A_384 : f32 to vector<16xf32>
        %parallel_loop3A_386 = arith.mulf %parallel_loop3A_346, %parallel_loop3A_385 : vector<16xf32>
        tpu.vector_store_idx %arg10[%parallel_loop3A_380, %parallel_loop3A_383, %parallel_loop3A_257], %parallel_loop3A_386 : memref<8x8x129xf32, #tpu.memory_space<vmem>>[vector<16xi32>, vector<16xi32>, vector<16xi32>], vector<16xf32>,
        %parallel_loop3A_387 = arith.index_cast %parallel_loop3A_256 : i32 to index
        %parallel_loop3A_388 = arith.constant 48 : index
        %parallel_loop3A_389 = tpu.vector_load %arg6[%parallel_loop3A_387, %parallel_loop3A_388] {strides = array<i32>} : memref<128x64xf32, #tpu.memory_space<vmem>>, vector<16xf32>,
        %parallel_loop3A_390 = arith.constant 48 : i32
        %parallel_loop3A_391 = vector.broadcast %parallel_loop3A_390 : i32 to vector<16xi32>
        %parallel_loop3A_392 = arith.addi %parallel_loop3A_391, %iota3A : vector<16xi32>
        %parallel_loop3A_393 = arith.constant 8 : i32
        %parallel_loop3A_394 = vector.broadcast %parallel_loop3A_393 : i32 to vector<16xi32>
        %parallel_loop3A_395 = arith.divsi %parallel_loop3A_392, %parallel_loop3A_394 : vector<16xi32>
        %parallel_loop3A_396 = arith.constant 0 : i32
        %parallel_loop3A_397 = vector.broadcast %parallel_loop3A_396 : i32 to vector<16xi32>
        %parallel_loop3A_398 = arith.cmpi sgt, %parallel_loop3A_392, %parallel_loop3A_397 : vector<16xi32>
        %parallel_loop3A_399 = arith.extui %parallel_loop3A_398 : vector<16xi1> to vector<16xi32>
        %parallel_loop3A_400 = arith.constant 0 : i32
        %parallel_loop3A_401 = vector.broadcast %parallel_loop3A_400 : i32 to vector<16xi32>
        %parallel_loop3A_402 = arith.cmpi slt, %parallel_loop3A_392, %parallel_loop3A_401 : vector<16xi32>
        %parallel_loop3A_403 = arith.extui %parallel_loop3A_402 : vector<16xi1> to vector<16xi32>
        %parallel_loop3A_404 = arith.subi %parallel_loop3A_399, %parallel_loop3A_403 : vector<16xi32>
        %parallel_loop3A_405 = arith.constant 0 : i32
        %parallel_loop3A_406 = arith.cmpi sgt, %parallel_loop3A_393, %parallel_loop3A_405 : i32
        %parallel_loop3A_407 = arith.extui %parallel_loop3A_406 : i1 to i32
        %parallel_loop3A_408 = arith.constant 0 : i32
        %parallel_loop3A_409 = arith.cmpi slt, %parallel_loop3A_393, %parallel_loop3A_408 : i32
        %parallel_loop3A_410 = arith.extui %parallel_loop3A_409 : i1 to i32
        %parallel_loop3A_411 = arith.subi %parallel_loop3A_407, %parallel_loop3A_410 : i32
        %parallel_loop3A_412 = vector.broadcast %parallel_loop3A_411 : i32 to vector<16xi32>
        %parallel_loop3A_413 = arith.cmpi ne, %parallel_loop3A_404, %parallel_loop3A_412 : vector<16xi32>
        %parallel_loop3A_414 = vector.broadcast %parallel_loop3A_393 : i32 to vector<16xi32>
        %parallel_loop3A_415 = arith.remsi %parallel_loop3A_392, %parallel_loop3A_414 : vector<16xi32>
        %parallel_loop3A_416 = arith.constant 0 : i32
        %parallel_loop3A_417 = vector.broadcast %parallel_loop3A_416 : i32 to vector<16xi32>
        %parallel_loop3A_418 = arith.cmpi ne, %parallel_loop3A_415, %parallel_loop3A_417 : vector<16xi32>
        %parallel_loop3A_419 = arith.andi %parallel_loop3A_413, %parallel_loop3A_418 : vector<16xi1>
        %parallel_loop3A_420 = arith.constant 1 : i32
        %parallel_loop3A_421 = vector.broadcast %parallel_loop3A_420 : i32 to vector<16xi32>
        %parallel_loop3A_422 = arith.subi %parallel_loop3A_395, %parallel_loop3A_421 : vector<16xi32>
        %parallel_loop3A_423 = arith.select %parallel_loop3A_419, %parallel_loop3A_422, %parallel_loop3A_395 : vector<16xi1>, vector<16xi32>
        %parallel_loop3A_424 = arith.constant 8 : i32
        %parallel_loop3A_425 = vector.broadcast %parallel_loop3A_424 : i32 to vector<16xi32>
        %parallel_loop3A_426 = arith.remsi %parallel_loop3A_392, %parallel_loop3A_425 : vector<16xi32>
        %parallel_loop3A_427 = arith.constant 8.000000e+00 : f32
        %parallel_loop3A_428 = vector.broadcast %parallel_loop3A_427 : f32 to vector<16xf32>
        %parallel_loop3A_429 = arith.mulf %parallel_loop3A_389, %parallel_loop3A_428 : vector<16xf32>
        tpu.vector_store_idx %arg10[%parallel_loop3A_423, %parallel_loop3A_426, %parallel_loop3A_257], %parallel_loop3A_429 : memref<8x8x129xf32, #tpu.memory_space<vmem>>[vector<16xi32>, vector<16xi32>, vector<16xi32>], vector<16xf32>,
      } {sc.loop_unroll_factor = 2 : i64, sc.parallel_access}
      %dma_start3A_122 = arith.constant 0 : i32
      %dma_start3A_123 = arith.constant 0 : i32
      %dma_start3A_124 = arith.constant 0 : i32
      %dma_start3A_125 = tpu.memref_slice %arg10[%dma_start3A_122, %dma_start3A_123, %dma_start3A_124] : memref<8x8x129xf32, #tpu.memory_space<vmem>> -> memref<8x8x128xf32, #tpu.memory_space<vmem>>
      %dma_start3A_126 = arith.constant 0 : i32
      %dma_start3A_127 = arith.constant 0 : i32
      %dma_start3A_128 = arith.constant 0 : i32
      %dma_start3A_129 = tpu.memref_slice %arg4[%mul3A_103, %dma_start3A_126, %add3A, %dma_start3A_127, %dma_start3A_128] : memref<200x8x32x8x128xf32, #tpu.memory_space<hbm>> -> memref<1x8x1x8x128xf32, #tpu.memory_space<hbm>>
      %dma_start3A_130 = tpu.memref_squeeze %dma_start3A_129 : memref<1x8x1x8x128xf32, #tpu.memory_space<hbm>> -> memref<8x8x128xf32, #tpu.memory_space<hbm>>
      %dma_start3A_131 = arith.constant 0 : i32
      %dma_start3A_132 = arith.constant 0 : i32
      %dma_start3A_133 = arith.constant 0 : i32
      %dma_start3A_134 = tpu.memref_slice %arg4[%mul3A_103, %dma_start3A_131, %add3A, %dma_start3A_132, %dma_start3A_133] : memref<200x8x32x8x128xf32, #tpu.memory_space<hbm>> -> memref<1x8x1x8x128xf32, #tpu.memory_space<hbm>>
      %dma_start3A_135 = tpu.memref_squeeze %dma_start3A_134 : memref<1x8x1x8x128xf32, #tpu.memory_space<hbm>> -> memref<8x8x128xf32, #tpu.memory_space<hbm>>
      %dma_start3A_136 = arith.constant 0 : i32
      %dma_start3A_137 = arith.constant 0 : i32
      %dma_start3A_138 = arith.constant 0 : i32
      %dma_start3A_139 = tpu.memref_slice %arg10[%dma_start3A_136, %dma_start3A_137, %dma_start3A_138] : memref<8x8x129xf32, #tpu.memory_space<vmem>> -> memref<8x8x128xf32, #tpu.memory_space<vmem>>
      tpu.enqueue_dma source(%dma_start3A_139 : memref<8x8x128xf32, #tpu.memory_space<vmem>>) target(%dma_start3A_135 : memref<8x8x128xf32, #tpu.memory_space<hbm>>) target_semaphore(%arg18 : memref<!tpu.dma_semaphore, #tpu.memory_space<semaphore_mem>>)
      %add3A_140 = arith.constant 1 : i32
      %add3A_141 = arith.addi %mul3A_103, %add3A_140 : i32
      %lt3A = arith.constant 49 : i32
      %lt3A_142 = arith.cmpi slt, %scan3A_101, %lt3A : i32
      %ge3A_143 = arith.constant 1 : i32
      %ge3A_144 = arith.cmpi sge, %scan3A_101, %ge3A_143 : i32
      %convert_element_type3A_145 = arith.extui %lt3A_142 : i1 to i32
      %cond3A_146 = arith.constant 0 : i32
      %cond3A_147 = arith.cmpi ne, %convert_element_type3A_145, %cond3A_146 : i32
      scf.if %cond3A_147 {
        %add3A_256 = arith.constant 3 : i32
        %add3A_257 = arith.addi %add3A_141, %add3A_256 : i32
        %dma_start3A_258 = arith.constant 0 : i32
        %dma_start3A_259 = tpu.memref_slice %arg5[%add3A_257, %dma_start3A_258] : memref<200x128xi32, #tpu.memory_space<vmem>> -> memref<1x128xi32, #tpu.memory_space<vmem>>
        %dma_start3A_260 = tpu.memref_squeeze %dma_start3A_259 : memref<1x128xi32, #tpu.memory_space<vmem>> -> memref<128xi32, #tpu.memory_space<vmem>>
        %dma_start3A_261 = arith.constant 0 : i32
        %dma_start3A_262 = arith.constant 0 : i32
        %dma_start3A_263 = tpu.memref_slice %arg3[%dma_start3A_261, %dma_start3A_262] : memref<1000000x64xf32, #tpu.memory_space<hbm>> -> memref<1000000x64xf32, #tpu.memory_space<hbm>>
        tpu.enqueue_indirect_dma source(%dma_start3A_263 : memref<1000000x64xf32, #tpu.memory_space<hbm>>) target(%arg6 : memref<128x64xf32, #tpu.memory_space<vmem>>) offsets(%dma_start3A_260 : memref<128xi32, #tpu.memory_space<vmem>>) semaphore(%arg14 : memref<!tpu.dma_semaphore, #tpu.memory_space<semaphore_mem>>)
      } else {
      }
      %dma_wait3A_148 = arith.constant 0 : i32
      %dma_wait3A_149 = tpu.memref_slice %arg5[%add3A_141, %dma_wait3A_148] : memref<200x128xi32, #tpu.memory_space<vmem>> -> memref<1x128xi32, #tpu.memory_space<vmem>>
      %dma_wait3A_150 = tpu.memref_squeeze %dma_wait3A_149 : memref<1x128xi32, #tpu.memory_space<vmem>> -> memref<128xi32, #tpu.memory_space<vmem>>
      %dma_wait3A_151 = arith.constant 0 : i32
      %dma_wait3A_152 = arith.constant 0 : i32
      %dma_wait3A_153 = tpu.memref_slice %arg3[%dma_wait3A_151, %dma_wait3A_152] : memref<1000000x64xf32, #tpu.memory_space<hbm>> -> memref<1000000x64xf32, #tpu.memory_space<hbm>>
      tpu.wait_indirect_dma semaphore(%arg15 : memref<!tpu.dma_semaphore, #tpu.memory_space<semaphore_mem>>) src(%dma_wait3A_153 : memref<1000000x64xf32, #tpu.memory_space<hbm>>) dst(%arg7 : memref<128x64xf32, #tpu.memory_space<vmem>>)
      %convert_element_type3A_154 = arith.extui %ge3A_144 : i1 to i32
      %cond3A_155 = arith.constant 0 : i32
      %cond3A_156 = arith.cmpi ne, %convert_element_type3A_154, %cond3A_155 : i32
      scf.if %cond3A_156 {
        %sub3A = arith.constant 4 : i32
        %sub3A_256 = arith.subi %add3A_141, %sub3A : i32
        %dma_wait3A_257 = arith.constant 0 : i32
        %dma_wait3A_258 = arith.constant 0 : i32
        %dma_wait3A_259 = arith.constant 0 : i32
        %dma_wait3A_260 = tpu.memref_slice %arg11[%dma_wait3A_257, %dma_wait3A_258, %dma_wait3A_259] : memref<8x8x129xf32, #tpu.memory_space<vmem>> -> memref<8x8x128xf32, #tpu.memory_space<vmem>>
        %dma_wait3A_261 = arith.constant 0 : i32
        %dma_wait3A_262 = arith.constant 0 : i32
        %dma_wait3A_263 = arith.constant 0 : i32
        %dma_wait3A_264 = tpu.memref_slice %arg4[%sub3A_256, %dma_wait3A_261, %add3A, %dma_wait3A_262, %dma_wait3A_263] : memref<200x8x32x8x128xf32, #tpu.memory_space<hbm>> -> memref<1x8x1x8x128xf32, #tpu.memory_space<hbm>>
        %dma_wait3A_265 = tpu.memref_squeeze %dma_wait3A_264 : memref<1x8x1x8x128xf32, #tpu.memory_space<hbm>> -> memref<8x8x128xf32, #tpu.memory_space<hbm>>
        %dma_wait3A_266 = arith.constant 0 : i32
        %dma_wait3A_267 = arith.constant 0 : i32
        %dma_wait3A_268 = arith.constant 0 : i32
        %dma_wait3A_269 = tpu.memref_slice %arg4[%sub3A_256, %dma_wait3A_266, %add3A, %dma_wait3A_267, %dma_wait3A_268] : memref<200x8x32x8x128xf32, #tpu.memory_space<hbm>> -> memref<1x8x1x8x128xf32, #tpu.memory_space<hbm>>
        %dma_wait3A_270 = tpu.memref_squeeze %dma_wait3A_269 : memref<1x8x1x8x128xf32, #tpu.memory_space<hbm>> -> memref<8x8x128xf32, #tpu.memory_space<hbm>>
        %dma_wait3A_271 = arith.constant 0 : i32
        %dma_wait3A_272 = arith.constant 0 : i32
        %dma_wait3A_273 = arith.constant 0 : i32
        %dma_wait3A_274 = tpu.memref_slice %arg11[%dma_wait3A_271, %dma_wait3A_272, %dma_wait3A_273] : memref<8x8x129xf32, #tpu.memory_space<vmem>> -> memref<8x8x128xf32, #tpu.memory_space<vmem>>
        tpu.wait_dma2 semaphore(%arg19 : memref<!tpu.dma_semaphore, #tpu.memory_space<semaphore_mem>>) src(%dma_wait3A_274 : memref<8x8x128xf32, #tpu.memory_space<vmem>>) dst(%dma_wait3A_270 : memref<8x8x128xf32, #tpu.memory_space<hbm>>)
      } else {
      }
      %parallel_loop3A_157 = arith.constant 0 : i32
      %parallel_loop3A_158 = arith.constant 128 : i32
      %parallel_loop3A_159 = arith.constant 1 : i32
      scf.for %parallel_loop3A_256 = %parallel_loop3A_157 to %parallel_loop3A_158 step %parallel_loop3A_159  : i32 {
        %parallel_loop3A_257 = vector.broadcast %parallel_loop3A_256 : i32 to vector<16xi32>
        %parallel_loop3A_258 = arith.index_cast %parallel_loop3A_256 : i32 to index
        %parallel_loop3A_259 = arith.constant 0 : index
        %parallel_loop3A_260 = tpu.vector_load %arg7[%parallel_loop3A_258, %parallel_loop3A_259] {strides = array<i32>} : memref<128x64xf32, #tpu.memory_space<vmem>>, vector<16xf32>,
        %parallel_loop3A_261 = arith.constant 0 : i32
        %parallel_loop3A_262 = vector.broadcast %parallel_loop3A_261 : i32 to vector<16xi32>
        %parallel_loop3A_263 = arith.addi %parallel_loop3A_262, %iota3A : vector<16xi32>
        %parallel_loop3A_264 = arith.constant 8 : i32
        %parallel_loop3A_265 = vector.broadcast %parallel_loop3A_264 : i32 to vector<16xi32>
        %parallel_loop3A_266 = arith.divsi %parallel_loop3A_263, %parallel_loop3A_265 : vector<16xi32>
        %parallel_loop3A_267 = arith.constant 0 : i32
        %parallel_loop3A_268 = vector.broadcast %parallel_loop3A_267 : i32 to vector<16xi32>
        %parallel_loop3A_269 = arith.cmpi sgt, %parallel_loop3A_263, %parallel_loop3A_268 : vector<16xi32>
        %parallel_loop3A_270 = arith.extui %parallel_loop3A_269 : vector<16xi1> to vector<16xi32>
        %parallel_loop3A_271 = arith.constant 0 : i32
        %parallel_loop3A_272 = vector.broadcast %parallel_loop3A_271 : i32 to vector<16xi32>
        %parallel_loop3A_273 = arith.cmpi slt, %parallel_loop3A_263, %parallel_loop3A_272 : vector<16xi32>
        %parallel_loop3A_274 = arith.extui %parallel_loop3A_273 : vector<16xi1> to vector<16xi32>
        %parallel_loop3A_275 = arith.subi %parallel_loop3A_270, %parallel_loop3A_274 : vector<16xi32>
        %parallel_loop3A_276 = arith.constant 0 : i32
        %parallel_loop3A_277 = arith.cmpi sgt, %parallel_loop3A_264, %parallel_loop3A_276 : i32
        %parallel_loop3A_278 = arith.extui %parallel_loop3A_277 : i1 to i32
        %parallel_loop3A_279 = arith.constant 0 : i32
        %parallel_loop3A_280 = arith.cmpi slt, %parallel_loop3A_264, %parallel_loop3A_279 : i32
        %parallel_loop3A_281 = arith.extui %parallel_loop3A_280 : i1 to i32
        %parallel_loop3A_282 = arith.subi %parallel_loop3A_278, %parallel_loop3A_281 : i32
        %parallel_loop3A_283 = vector.broadcast %parallel_loop3A_282 : i32 to vector<16xi32>
        %parallel_loop3A_284 = arith.cmpi ne, %parallel_loop3A_275, %parallel_loop3A_283 : vector<16xi32>
        %parallel_loop3A_285 = vector.broadcast %parallel_loop3A_264 : i32 to vector<16xi32>
        %parallel_loop3A_286 = arith.remsi %parallel_loop3A_263, %parallel_loop3A_285 : vector<16xi32>
        %parallel_loop3A_287 = arith.constant 0 : i32
        %parallel_loop3A_288 = vector.broadcast %parallel_loop3A_287 : i32 to vector<16xi32>
        %parallel_loop3A_289 = arith.cmpi ne, %parallel_loop3A_286, %parallel_loop3A_288 : vector<16xi32>
        %parallel_loop3A_290 = arith.andi %parallel_loop3A_284, %parallel_loop3A_289 : vector<16xi1>
        %parallel_loop3A_291 = arith.constant 1 : i32
        %parallel_loop3A_292 = vector.broadcast %parallel_loop3A_291 : i32 to vector<16xi32>
        %parallel_loop3A_293 = arith.subi %parallel_loop3A_266, %parallel_loop3A_292 : vector<16xi32>
        %parallel_loop3A_294 = arith.select %parallel_loop3A_290, %parallel_loop3A_293, %parallel_loop3A_266 : vector<16xi1>, vector<16xi32>
        %parallel_loop3A_295 = arith.constant 8 : i32
        %parallel_loop3A_296 = vector.broadcast %parallel_loop3A_295 : i32 to vector<16xi32>
        %parallel_loop3A_297 = arith.remsi %parallel_loop3A_263, %parallel_loop3A_296 : vector<16xi32>
        %parallel_loop3A_298 = arith.constant 8.000000e+00 : f32
        %parallel_loop3A_299 = vector.broadcast %parallel_loop3A_298 : f32 to vector<16xf32>
        %parallel_loop3A_300 = arith.mulf %parallel_loop3A_260, %parallel_loop3A_299 : vector<16xf32>
        tpu.vector_store_idx %arg11[%parallel_loop3A_294, %parallel_loop3A_297, %parallel_loop3A_257], %parallel_loop3A_300 : memref<8x8x129xf32, #tpu.memory_space<vmem>>[vector<16xi32>, vector<16xi32>, vector<16xi32>], vector<16xf32>,
        %parallel_loop3A_301 = arith.index_cast %parallel_loop3A_256 : i32 to index
        %parallel_loop3A_302 = arith.constant 16 : index
        %parallel_loop3A_303 = tpu.vector_load %arg7[%parallel_loop3A_301, %parallel_loop3A_302] {strides = array<i32>} : memref<128x64xf32, #tpu.memory_space<vmem>>, vector<16xf32>,
        %parallel_loop3A_304 = arith.constant 16 : i32
        %parallel_loop3A_305 = vector.broadcast %parallel_loop3A_304 : i32 to vector<16xi32>
        %parallel_loop3A_306 = arith.addi %parallel_loop3A_305, %iota3A : vector<16xi32>
        %parallel_loop3A_307 = arith.constant 8 : i32
        %parallel_loop3A_308 = vector.broadcast %parallel_loop3A_307 : i32 to vector<16xi32>
        %parallel_loop3A_309 = arith.divsi %parallel_loop3A_306, %parallel_loop3A_308 : vector<16xi32>
        %parallel_loop3A_310 = arith.constant 0 : i32
        %parallel_loop3A_311 = vector.broadcast %parallel_loop3A_310 : i32 to vector<16xi32>
        %parallel_loop3A_312 = arith.cmpi sgt, %parallel_loop3A_306, %parallel_loop3A_311 : vector<16xi32>
        %parallel_loop3A_313 = arith.extui %parallel_loop3A_312 : vector<16xi1> to vector<16xi32>
        %parallel_loop3A_314 = arith.constant 0 : i32
        %parallel_loop3A_315 = vector.broadcast %parallel_loop3A_314 : i32 to vector<16xi32>
        %parallel_loop3A_316 = arith.cmpi slt, %parallel_loop3A_306, %parallel_loop3A_315 : vector<16xi32>
        %parallel_loop3A_317 = arith.extui %parallel_loop3A_316 : vector<16xi1> to vector<16xi32>
        %parallel_loop3A_318 = arith.subi %parallel_loop3A_313, %parallel_loop3A_317 : vector<16xi32>
        %parallel_loop3A_319 = arith.constant 0 : i32
        %parallel_loop3A_320 = arith.cmpi sgt, %parallel_loop3A_307, %parallel_loop3A_319 : i32
        %parallel_loop3A_321 = arith.extui %parallel_loop3A_320 : i1 to i32
        %parallel_loop3A_322 = arith.constant 0 : i32
        %parallel_loop3A_323 = arith.cmpi slt, %parallel_loop3A_307, %parallel_loop3A_322 : i32
        %parallel_loop3A_324 = arith.extui %parallel_loop3A_323 : i1 to i32
        %parallel_loop3A_325 = arith.subi %parallel_loop3A_321, %parallel_loop3A_324 : i32
        %parallel_loop3A_326 = vector.broadcast %parallel_loop3A_325 : i32 to vector<16xi32>
        %parallel_loop3A_327 = arith.cmpi ne, %parallel_loop3A_318, %parallel_loop3A_326 : vector<16xi32>
        %parallel_loop3A_328 = vector.broadcast %parallel_loop3A_307 : i32 to vector<16xi32>
        %parallel_loop3A_329 = arith.remsi %parallel_loop3A_306, %parallel_loop3A_328 : vector<16xi32>
        %parallel_loop3A_330 = arith.constant 0 : i32
        %parallel_loop3A_331 = vector.broadcast %parallel_loop3A_330 : i32 to vector<16xi32>
        %parallel_loop3A_332 = arith.cmpi ne, %parallel_loop3A_329, %parallel_loop3A_331 : vector<16xi32>
        %parallel_loop3A_333 = arith.andi %parallel_loop3A_327, %parallel_loop3A_332 : vector<16xi1>
        %parallel_loop3A_334 = arith.constant 1 : i32
        %parallel_loop3A_335 = vector.broadcast %parallel_loop3A_334 : i32 to vector<16xi32>
        %parallel_loop3A_336 = arith.subi %parallel_loop3A_309, %parallel_loop3A_335 : vector<16xi32>
        %parallel_loop3A_337 = arith.select %parallel_loop3A_333, %parallel_loop3A_336, %parallel_loop3A_309 : vector<16xi1>, vector<16xi32>
        %parallel_loop3A_338 = arith.constant 8 : i32
        %parallel_loop3A_339 = vector.broadcast %parallel_loop3A_338 : i32 to vector<16xi32>
        %parallel_loop3A_340 = arith.remsi %parallel_loop3A_306, %parallel_loop3A_339 : vector<16xi32>
        %parallel_loop3A_341 = arith.constant 8.000000e+00 : f32
        %parallel_loop3A_342 = vector.broadcast %parallel_loop3A_341 : f32 to vector<16xf32>
        %parallel_loop3A_343 = arith.mulf %parallel_loop3A_303, %parallel_loop3A_342 : vector<16xf32>
        tpu.vector_store_idx %arg11[%parallel_loop3A_337, %parallel_loop3A_340, %parallel_loop3A_257], %parallel_loop3A_343 : memref<8x8x129xf32, #tpu.memory_space<vmem>>[vector<16xi32>, vector<16xi32>, vector<16xi32>], vector<16xf32>,
        %parallel_loop3A_344 = arith.index_cast %parallel_loop3A_256 : i32 to index
        %parallel_loop3A_345 = arith.constant 32 : index
        %parallel_loop3A_346 = tpu.vector_load %arg7[%parallel_loop3A_344, %parallel_loop3A_345] {strides = array<i32>} : memref<128x64xf32, #tpu.memory_space<vmem>>, vector<16xf32>,
        %parallel_loop3A_347 = arith.constant 32 : i32
        %parallel_loop3A_348 = vector.broadcast %parallel_loop3A_347 : i32 to vector<16xi32>
        %parallel_loop3A_349 = arith.addi %parallel_loop3A_348, %iota3A : vector<16xi32>
        %parallel_loop3A_350 = arith.constant 8 : i32
        %parallel_loop3A_351 = vector.broadcast %parallel_loop3A_350 : i32 to vector<16xi32>
        %parallel_loop3A_352 = arith.divsi %parallel_loop3A_349, %parallel_loop3A_351 : vector<16xi32>
        %parallel_loop3A_353 = arith.constant 0 : i32
        %parallel_loop3A_354 = vector.broadcast %parallel_loop3A_353 : i32 to vector<16xi32>
        %parallel_loop3A_355 = arith.cmpi sgt, %parallel_loop3A_349, %parallel_loop3A_354 : vector<16xi32>
        %parallel_loop3A_356 = arith.extui %parallel_loop3A_355 : vector<16xi1> to vector<16xi32>
        %parallel_loop3A_357 = arith.constant 0 : i32
        %parallel_loop3A_358 = vector.broadcast %parallel_loop3A_357 : i32 to vector<16xi32>
        %parallel_loop3A_359 = arith.cmpi slt, %parallel_loop3A_349, %parallel_loop3A_358 : vector<16xi32>
        %parallel_loop3A_360 = arith.extui %parallel_loop3A_359 : vector<16xi1> to vector<16xi32>
        %parallel_loop3A_361 = arith.subi %parallel_loop3A_356, %parallel_loop3A_360 : vector<16xi32>
        %parallel_loop3A_362 = arith.constant 0 : i32
        %parallel_loop3A_363 = arith.cmpi sgt, %parallel_loop3A_350, %parallel_loop3A_362 : i32
        %parallel_loop3A_364 = arith.extui %parallel_loop3A_363 : i1 to i32
        %parallel_loop3A_365 = arith.constant 0 : i32
        %parallel_loop3A_366 = arith.cmpi slt, %parallel_loop3A_350, %parallel_loop3A_365 : i32
        %parallel_loop3A_367 = arith.extui %parallel_loop3A_366 : i1 to i32
        %parallel_loop3A_368 = arith.subi %parallel_loop3A_364, %parallel_loop3A_367 : i32
        %parallel_loop3A_369 = vector.broadcast %parallel_loop3A_368 : i32 to vector<16xi32>
        %parallel_loop3A_370 = arith.cmpi ne, %parallel_loop3A_361, %parallel_loop3A_369 : vector<16xi32>
        %parallel_loop3A_371 = vector.broadcast %parallel_loop3A_350 : i32 to vector<16xi32>
        %parallel_loop3A_372 = arith.remsi %parallel_loop3A_349, %parallel_loop3A_371 : vector<16xi32>
        %parallel_loop3A_373 = arith.constant 0 : i32
        %parallel_loop3A_374 = vector.broadcast %parallel_loop3A_373 : i32 to vector<16xi32>
        %parallel_loop3A_375 = arith.cmpi ne, %parallel_loop3A_372, %parallel_loop3A_374 : vector<16xi32>
        %parallel_loop3A_376 = arith.andi %parallel_loop3A_370, %parallel_loop3A_375 : vector<16xi1>
        %parallel_loop3A_377 = arith.constant 1 : i32
        %parallel_loop3A_378 = vector.broadcast %parallel_loop3A_377 : i32 to vector<16xi32>
        %parallel_loop3A_379 = arith.subi %parallel_loop3A_352, %parallel_loop3A_378 : vector<16xi32>
        %parallel_loop3A_380 = arith.select %parallel_loop3A_376, %parallel_loop3A_379, %parallel_loop3A_352 : vector<16xi1>, vector<16xi32>
        %parallel_loop3A_381 = arith.constant 8 : i32
        %parallel_loop3A_382 = vector.broadcast %parallel_loop3A_381 : i32 to vector<16xi32>
        %parallel_loop3A_383 = arith.remsi %parallel_loop3A_349, %parallel_loop3A_382 : vector<16xi32>
        %parallel_loop3A_384 = arith.constant 8.000000e+00 : f32
        %parallel_loop3A_385 = vector.broadcast %parallel_loop3A_384 : f32 to vector<16xf32>
        %parallel_loop3A_386 = arith.mulf %parallel_loop3A_346, %parallel_loop3A_385 : vector<16xf32>
        tpu.vector_store_idx %arg11[%parallel_loop3A_380, %parallel_loop3A_383, %parallel_loop3A_257], %parallel_loop3A_386 : memref<8x8x129xf32, #tpu.memory_space<vmem>>[vector<16xi32>, vector<16xi32>, vector<16xi32>], vector<16xf32>,
        %parallel_loop3A_387 = arith.index_cast %parallel_loop3A_256 : i32 to index
        %parallel_loop3A_388 = arith.constant 48 : index
        %parallel_loop3A_389 = tpu.vector_load %arg7[%parallel_loop3A_387, %parallel_loop3A_388] {strides = array<i32>} : memref<128x64xf32, #tpu.memory_space<vmem>>, vector<16xf32>,
        %parallel_loop3A_390 = arith.constant 48 : i32
        %parallel_loop3A_391 = vector.broadcast %parallel_loop3A_390 : i32 to vector<16xi32>
        %parallel_loop3A_392 = arith.addi %parallel_loop3A_391, %iota3A : vector<16xi32>
        %parallel_loop3A_393 = arith.constant 8 : i32
        %parallel_loop3A_394 = vector.broadcast %parallel_loop3A_393 : i32 to vector<16xi32>
        %parallel_loop3A_395 = arith.divsi %parallel_loop3A_392, %parallel_loop3A_394 : vector<16xi32>
        %parallel_loop3A_396 = arith.constant 0 : i32
        %parallel_loop3A_397 = vector.broadcast %parallel_loop3A_396 : i32 to vector<16xi32>
        %parallel_loop3A_398 = arith.cmpi sgt, %parallel_loop3A_392, %parallel_loop3A_397 : vector<16xi32>
        %parallel_loop3A_399 = arith.extui %parallel_loop3A_398 : vector<16xi1> to vector<16xi32>
        %parallel_loop3A_400 = arith.constant 0 : i32
        %parallel_loop3A_401 = vector.broadcast %parallel_loop3A_400 : i32 to vector<16xi32>
        %parallel_loop3A_402 = arith.cmpi slt, %parallel_loop3A_392, %parallel_loop3A_401 : vector<16xi32>
        %parallel_loop3A_403 = arith.extui %parallel_loop3A_402 : vector<16xi1> to vector<16xi32>
        %parallel_loop3A_404 = arith.subi %parallel_loop3A_399, %parallel_loop3A_403 : vector<16xi32>
        %parallel_loop3A_405 = arith.constant 0 : i32
        %parallel_loop3A_406 = arith.cmpi sgt, %parallel_loop3A_393, %parallel_loop3A_405 : i32
        %parallel_loop3A_407 = arith.extui %parallel_loop3A_406 : i1 to i32
        %parallel_loop3A_408 = arith.constant 0 : i32
        %parallel_loop3A_409 = arith.cmpi slt, %parallel_loop3A_393, %parallel_loop3A_408 : i32
        %parallel_loop3A_410 = arith.extui %parallel_loop3A_409 : i1 to i32
        %parallel_loop3A_411 = arith.subi %parallel_loop3A_407, %parallel_loop3A_410 : i32
        %parallel_loop3A_412 = vector.broadcast %parallel_loop3A_411 : i32 to vector<16xi32>
        %parallel_loop3A_413 = arith.cmpi ne, %parallel_loop3A_404, %parallel_loop3A_412 : vector<16xi32>
        %parallel_loop3A_414 = vector.broadcast %parallel_loop3A_393 : i32 to vector<16xi32>
        %parallel_loop3A_415 = arith.remsi %parallel_loop3A_392, %parallel_loop3A_414 : vector<16xi32>
        %parallel_loop3A_416 = arith.constant 0 : i32
        %parallel_loop3A_417 = vector.broadcast %parallel_loop3A_416 : i32 to vector<16xi32>
        %parallel_loop3A_418 = arith.cmpi ne, %parallel_loop3A_415, %parallel_loop3A_417 : vector<16xi32>
        %parallel_loop3A_419 = arith.andi %parallel_loop3A_413, %parallel_loop3A_418 : vector<16xi1>
        %parallel_loop3A_420 = arith.constant 1 : i32
        %parallel_loop3A_421 = vector.broadcast %parallel_loop3A_420 : i32 to vector<16xi32>
        %parallel_loop3A_422 = arith.subi %parallel_loop3A_395, %parallel_loop3A_421 : vector<16xi32>
        %parallel_loop3A_423 = arith.select %parallel_loop3A_419, %parallel_loop3A_422, %parallel_loop3A_395 : vector<16xi1>, vector<16xi32>
        %parallel_loop3A_424 = arith.constant 8 : i32
        %parallel_loop3A_425 = vector.broadcast %parallel_loop3A_424 : i32 to vector<16xi32>
        %parallel_loop3A_426 = arith.remsi %parallel_loop3A_392, %parallel_loop3A_425 : vector<16xi32>
        %parallel_loop3A_427 = arith.constant 8.000000e+00 : f32
        %parallel_loop3A_428 = vector.broadcast %parallel_loop3A_427 : f32 to vector<16xf32>
        %parallel_loop3A_429 = arith.mulf %parallel_loop3A_389, %parallel_loop3A_428 : vector<16xf32>
        tpu.vector_store_idx %arg11[%parallel_loop3A_423, %parallel_loop3A_426, %parallel_loop3A_257], %parallel_loop3A_429 : memref<8x8x129xf32, #tpu.memory_space<vmem>>[vector<16xi32>, vector<16xi32>, vector<16xi32>], vector<16xf32>,
      } {sc.loop_unroll_factor = 2 : i64, sc.parallel_access}
      %dma_start3A_160 = arith.constant 0 : i32
      %dma_start3A_161 = arith.constant 0 : i32
      %dma_start3A_162 = arith.constant 0 : i32
      %dma_start3A_163 = tpu.memref_slice %arg11[%dma_start3A_160, %dma_start3A_161, %dma_start3A_162] : memref<8x8x129xf32, #tpu.memory_space<vmem>> -> memref<8x8x128xf32, #tpu.memory_space<vmem>>
      %dma_start3A_164 = arith.constant 0 : i32
      %dma_start3A_165 = arith.constant 0 : i32
      %dma_start3A_166 = arith.constant 0 : i32
      %dma_start3A_167 = tpu.memref_slice %arg4[%add3A_141, %dma_start3A_164, %add3A, %dma_start3A_165, %dma_start3A_166] : memref<200x8x32x8x128xf32, #tpu.memory_space<hbm>> -> memref<1x8x1x8x128xf32, #tpu.memory_space<hbm>>
      %dma_start3A_168 = tpu.memref_squeeze %dma_start3A_167 : memref<1x8x1x8x128xf32, #tpu.memory_space<hbm>> -> memref<8x8x128xf32, #tpu.memory_space<hbm>>
      %dma_start3A_169 = arith.constant 0 : i32
      %dma_start3A_170 = arith.constant 0 : i32
      %dma_start3A_171 = arith.constant 0 : i32
      %dma_start3A_172 = tpu.memref_slice %arg4[%add3A_141, %dma_start3A_169, %add3A, %dma_start3A_170, %dma_start3A_171] : memref<200x8x32x8x128xf32, #tpu.memory_space<hbm>> -> memref<1x8x1x8x128xf32, #tpu.memory_space<hbm>>
      %dma_start3A_173 = tpu.memref_squeeze %dma_start3A_172 : memref<1x8x1x8x128xf32, #tpu.memory_space<hbm>> -> memref<8x8x128xf32, #tpu.memory_space<hbm>>
      %dma_start3A_174 = arith.constant 0 : i32
      %dma_start3A_175 = arith.constant 0 : i32
      %dma_start3A_176 = arith.constant 0 : i32
      %dma_start3A_177 = tpu.memref_slice %arg11[%dma_start3A_174, %dma_start3A_175, %dma_start3A_176] : memref<8x8x129xf32, #tpu.memory_space<vmem>> -> memref<8x8x128xf32, #tpu.memory_space<vmem>>
      tpu.enqueue_dma source(%dma_start3A_177 : memref<8x8x128xf32, #tpu.memory_space<vmem>>) target(%dma_start3A_173 : memref<8x8x128xf32, #tpu.memory_space<hbm>>) target_semaphore(%arg19 : memref<!tpu.dma_semaphore, #tpu.memory_space<semaphore_mem>>)
      %add3A_178 = arith.constant 2 : i32
      %add3A_179 = arith.addi %mul3A_103, %add3A_178 : i32
      %lt3A_180 = arith.constant 49 : i32
      %lt3A_181 = arith.cmpi slt, %scan3A_101, %lt3A_180 : i32
      %ge3A_182 = arith.constant 1 : i32
      %ge3A_183 = arith.cmpi sge, %scan3A_101, %ge3A_182 : i32
      %convert_element_type3A_184 = arith.extui %lt3A_181 : i1 to i32
      %cond3A_185 = arith.constant 0 : i32
      %cond3A_186 = arith.cmpi ne, %convert_element_type3A_184, %cond3A_185 : i32
      scf.if %cond3A_186 {
        %add3A_256 = arith.constant 3 : i32
        %add3A_257 = arith.addi %add3A_179, %add3A_256 : i32
        %dma_start3A_258 = arith.constant 0 : i32
        %dma_start3A_259 = tpu.memref_slice %arg5[%add3A_257, %dma_start3A_258] : memref<200x128xi32, #tpu.memory_space<vmem>> -> memref<1x128xi32, #tpu.memory_space<vmem>>
        %dma_start3A_260 = tpu.memref_squeeze %dma_start3A_259 : memref<1x128xi32, #tpu.memory_space<vmem>> -> memref<128xi32, #tpu.memory_space<vmem>>
        %dma_start3A_261 = arith.constant 0 : i32
        %dma_start3A_262 = arith.constant 0 : i32
        %dma_start3A_263 = tpu.memref_slice %arg3[%dma_start3A_261, %dma_start3A_262] : memref<1000000x64xf32, #tpu.memory_space<hbm>> -> memref<1000000x64xf32, #tpu.memory_space<hbm>>
        tpu.enqueue_indirect_dma source(%dma_start3A_263 : memref<1000000x64xf32, #tpu.memory_space<hbm>>) target(%arg7 : memref<128x64xf32, #tpu.memory_space<vmem>>) offsets(%dma_start3A_260 : memref<128xi32, #tpu.memory_space<vmem>>) semaphore(%arg15 : memref<!tpu.dma_semaphore, #tpu.memory_space<semaphore_mem>>)
      } else {
      }
      %dma_wait3A_187 = arith.constant 0 : i32
      %dma_wait3A_188 = tpu.memref_slice %arg5[%add3A_179, %dma_wait3A_187] : memref<200x128xi32, #tpu.memory_space<vmem>> -> memref<1x128xi32, #tpu.memory_space<vmem>>
      %dma_wait3A_189 = tpu.memref_squeeze %dma_wait3A_188 : memref<1x128xi32, #tpu.memory_space<vmem>> -> memref<128xi32, #tpu.memory_space<vmem>>
      %dma_wait3A_190 = arith.constant 0 : i32
      %dma_wait3A_191 = arith.constant 0 : i32
      %dma_wait3A_192 = tpu.memref_slice %arg3[%dma_wait3A_190, %dma_wait3A_191] : memref<1000000x64xf32, #tpu.memory_space<hbm>> -> memref<1000000x64xf32, #tpu.memory_space<hbm>>
      tpu.wait_indirect_dma semaphore(%arg16 : memref<!tpu.dma_semaphore, #tpu.memory_space<semaphore_mem>>) src(%dma_wait3A_192 : memref<1000000x64xf32, #tpu.memory_space<hbm>>) dst(%arg8 : memref<128x64xf32, #tpu.memory_space<vmem>>)
      %convert_element_type3A_193 = arith.extui %ge3A_183 : i1 to i32
      %cond3A_194 = arith.constant 0 : i32
      %cond3A_195 = arith.cmpi ne, %convert_element_type3A_193, %cond3A_194 : i32
      scf.if %cond3A_195 {
        %sub3A = arith.constant 4 : i32
        %sub3A_256 = arith.subi %add3A_179, %sub3A : i32
        %dma_wait3A_257 = arith.constant 0 : i32
        %dma_wait3A_258 = arith.constant 0 : i32
        %dma_wait3A_259 = arith.constant 0 : i32
        %dma_wait3A_260 = tpu.memref_slice %arg12[%dma_wait3A_257, %dma_wait3A_258, %dma_wait3A_259] : memref<8x8x129xf32, #tpu.memory_space<vmem>> -> memref<8x8x128xf32, #tpu.memory_space<vmem>>
        %dma_wait3A_261 = arith.constant 0 : i32
        %dma_wait3A_262 = arith.constant 0 : i32
        %dma_wait3A_263 = arith.constant 0 : i32
        %dma_wait3A_264 = tpu.memref_slice %arg4[%sub3A_256, %dma_wait3A_261, %add3A, %dma_wait3A_262, %dma_wait3A_263] : memref<200x8x32x8x128xf32, #tpu.memory_space<hbm>> -> memref<1x8x1x8x128xf32, #tpu.memory_space<hbm>>
        %dma_wait3A_265 = tpu.memref_squeeze %dma_wait3A_264 : memref<1x8x1x8x128xf32, #tpu.memory_space<hbm>> -> memref<8x8x128xf32, #tpu.memory_space<hbm>>
        %dma_wait3A_266 = arith.constant 0 : i32
        %dma_wait3A_267 = arith.constant 0 : i32
        %dma_wait3A_268 = arith.constant 0 : i32
        %dma_wait3A_269 = tpu.memref_slice %arg4[%sub3A_256, %dma_wait3A_266, %add3A, %dma_wait3A_267, %dma_wait3A_268] : memref<200x8x32x8x128xf32, #tpu.memory_space<hbm>> -> memref<1x8x1x8x128xf32, #tpu.memory_space<hbm>>
        %dma_wait3A_270 = tpu.memref_squeeze %dma_wait3A_269 : memref<1x8x1x8x128xf32, #tpu.memory_space<hbm>> -> memref<8x8x128xf32, #tpu.memory_space<hbm>>
        %dma_wait3A_271 = arith.constant 0 : i32
        %dma_wait3A_272 = arith.constant 0 : i32
        %dma_wait3A_273 = arith.constant 0 : i32
        %dma_wait3A_274 = tpu.memref_slice %arg12[%dma_wait3A_271, %dma_wait3A_272, %dma_wait3A_273] : memref<8x8x129xf32, #tpu.memory_space<vmem>> -> memref<8x8x128xf32, #tpu.memory_space<vmem>>
        tpu.wait_dma2 semaphore(%arg20 : memref<!tpu.dma_semaphore, #tpu.memory_space<semaphore_mem>>) src(%dma_wait3A_274 : memref<8x8x128xf32, #tpu.memory_space<vmem>>) dst(%dma_wait3A_270 : memref<8x8x128xf32, #tpu.memory_space<hbm>>)
      } else {
      }
      %parallel_loop3A_196 = arith.constant 0 : i32
      %parallel_loop3A_197 = arith.constant 128 : i32
      %parallel_loop3A_198 = arith.constant 1 : i32
      scf.for %parallel_loop3A_256 = %parallel_loop3A_196 to %parallel_loop3A_197 step %parallel_loop3A_198  : i32 {
        %parallel_loop3A_257 = vector.broadcast %parallel_loop3A_256 : i32 to vector<16xi32>
        %parallel_loop3A_258 = arith.index_cast %parallel_loop3A_256 : i32 to index
        %parallel_loop3A_259 = arith.constant 0 : index
        %parallel_loop3A_260 = tpu.vector_load %arg8[%parallel_loop3A_258, %parallel_loop3A_259] {strides = array<i32>} : memref<128x64xf32, #tpu.memory_space<vmem>>, vector<16xf32>,
        %parallel_loop3A_261 = arith.constant 0 : i32
        %parallel_loop3A_262 = vector.broadcast %parallel_loop3A_261 : i32 to vector<16xi32>
        %parallel_loop3A_263 = arith.addi %parallel_loop3A_262, %iota3A : vector<16xi32>
        %parallel_loop3A_264 = arith.constant 8 : i32
        %parallel_loop3A_265 = vector.broadcast %parallel_loop3A_264 : i32 to vector<16xi32>
        %parallel_loop3A_266 = arith.divsi %parallel_loop3A_263, %parallel_loop3A_265 : vector<16xi32>
        %parallel_loop3A_267 = arith.constant 0 : i32
        %parallel_loop3A_268 = vector.broadcast %parallel_loop3A_267 : i32 to vector<16xi32>
        %parallel_loop3A_269 = arith.cmpi sgt, %parallel_loop3A_263, %parallel_loop3A_268 : vector<16xi32>
        %parallel_loop3A_270 = arith.extui %parallel_loop3A_269 : vector<16xi1> to vector<16xi32>
        %parallel_loop3A_271 = arith.constant 0 : i32
        %parallel_loop3A_272 = vector.broadcast %parallel_loop3A_271 : i32 to vector<16xi32>
        %parallel_loop3A_273 = arith.cmpi slt, %parallel_loop3A_263, %parallel_loop3A_272 : vector<16xi32>
        %parallel_loop3A_274 = arith.extui %parallel_loop3A_273 : vector<16xi1> to vector<16xi32>
        %parallel_loop3A_275 = arith.subi %parallel_loop3A_270, %parallel_loop3A_274 : vector<16xi32>
        %parallel_loop3A_276 = arith.constant 0 : i32
        %parallel_loop3A_277 = arith.cmpi sgt, %parallel_loop3A_264, %parallel_loop3A_276 : i32
        %parallel_loop3A_278 = arith.extui %parallel_loop3A_277 : i1 to i32
        %parallel_loop3A_279 = arith.constant 0 : i32
        %parallel_loop3A_280 = arith.cmpi slt, %parallel_loop3A_264, %parallel_loop3A_279 : i32
        %parallel_loop3A_281 = arith.extui %parallel_loop3A_280 : i1 to i32
        %parallel_loop3A_282 = arith.subi %parallel_loop3A_278, %parallel_loop3A_281 : i32
        %parallel_loop3A_283 = vector.broadcast %parallel_loop3A_282 : i32 to vector<16xi32>
        %parallel_loop3A_284 = arith.cmpi ne, %parallel_loop3A_275, %parallel_loop3A_283 : vector<16xi32>
        %parallel_loop3A_285 = vector.broadcast %parallel_loop3A_264 : i32 to vector<16xi32>
        %parallel_loop3A_286 = arith.remsi %parallel_loop3A_263, %parallel_loop3A_285 : vector<16xi32>
        %parallel_loop3A_287 = arith.constant 0 : i32
        %parallel_loop3A_288 = vector.broadcast %parallel_loop3A_287 : i32 to vector<16xi32>
        %parallel_loop3A_289 = arith.cmpi ne, %parallel_loop3A_286, %parallel_loop3A_288 : vector<16xi32>
        %parallel_loop3A_290 = arith.andi %parallel_loop3A_284, %parallel_loop3A_289 : vector<16xi1>
        %parallel_loop3A_291 = arith.constant 1 : i32
        %parallel_loop3A_292 = vector.broadcast %parallel_loop3A_291 : i32 to vector<16xi32>
        %parallel_loop3A_293 = arith.subi %parallel_loop3A_266, %parallel_loop3A_292 : vector<16xi32>
        %parallel_loop3A_294 = arith.select %parallel_loop3A_290, %parallel_loop3A_293, %parallel_loop3A_266 : vector<16xi1>, vector<16xi32>
        %parallel_loop3A_295 = arith.constant 8 : i32
        %parallel_loop3A_296 = vector.broadcast %parallel_loop3A_295 : i32 to vector<16xi32>
        %parallel_loop3A_297 = arith.remsi %parallel_loop3A_263, %parallel_loop3A_296 : vector<16xi32>
        %parallel_loop3A_298 = arith.constant 8.000000e+00 : f32
        %parallel_loop3A_299 = vector.broadcast %parallel_loop3A_298 : f32 to vector<16xf32>
        %parallel_loop3A_300 = arith.mulf %parallel_loop3A_260, %parallel_loop3A_299 : vector<16xf32>
        tpu.vector_store_idx %arg12[%parallel_loop3A_294, %parallel_loop3A_297, %parallel_loop3A_257], %parallel_loop3A_300 : memref<8x8x129xf32, #tpu.memory_space<vmem>>[vector<16xi32>, vector<16xi32>, vector<16xi32>], vector<16xf32>,
        %parallel_loop3A_301 = arith.index_cast %parallel_loop3A_256 : i32 to index
        %parallel_loop3A_302 = arith.constant 16 : index
        %parallel_loop3A_303 = tpu.vector_load %arg8[%parallel_loop3A_301, %parallel_loop3A_302] {strides = array<i32>} : memref<128x64xf32, #tpu.memory_space<vmem>>, vector<16xf32>,
        %parallel_loop3A_304 = arith.constant 16 : i32
        %parallel_loop3A_305 = vector.broadcast %parallel_loop3A_304 : i32 to vector<16xi32>
        %parallel_loop3A_306 = arith.addi %parallel_loop3A_305, %iota3A : vector<16xi32>
        %parallel_loop3A_307 = arith.constant 8 : i32
        %parallel_loop3A_308 = vector.broadcast %parallel_loop3A_307 : i32 to vector<16xi32>
        %parallel_loop3A_309 = arith.divsi %parallel_loop3A_306, %parallel_loop3A_308 : vector<16xi32>
        %parallel_loop3A_310 = arith.constant 0 : i32
        %parallel_loop3A_311 = vector.broadcast %parallel_loop3A_310 : i32 to vector<16xi32>
        %parallel_loop3A_312 = arith.cmpi sgt, %parallel_loop3A_306, %parallel_loop3A_311 : vector<16xi32>
        %parallel_loop3A_313 = arith.extui %parallel_loop3A_312 : vector<16xi1> to vector<16xi32>
        %parallel_loop3A_314 = arith.constant 0 : i32
        %parallel_loop3A_315 = vector.broadcast %parallel_loop3A_314 : i32 to vector<16xi32>
        %parallel_loop3A_316 = arith.cmpi slt, %parallel_loop3A_306, %parallel_loop3A_315 : vector<16xi32>
        %parallel_loop3A_317 = arith.extui %parallel_loop3A_316 : vector<16xi1> to vector<16xi32>
        %parallel_loop3A_318 = arith.subi %parallel_loop3A_313, %parallel_loop3A_317 : vector<16xi32>
        %parallel_loop3A_319 = arith.constant 0 : i32
        %parallel_loop3A_320 = arith.cmpi sgt, %parallel_loop3A_307, %parallel_loop3A_319 : i32
        %parallel_loop3A_321 = arith.extui %parallel_loop3A_320 : i1 to i32
        %parallel_loop3A_322 = arith.constant 0 : i32
        %parallel_loop3A_323 = arith.cmpi slt, %parallel_loop3A_307, %parallel_loop3A_322 : i32
        %parallel_loop3A_324 = arith.extui %parallel_loop3A_323 : i1 to i32
        %parallel_loop3A_325 = arith.subi %parallel_loop3A_321, %parallel_loop3A_324 : i32
        %parallel_loop3A_326 = vector.broadcast %parallel_loop3A_325 : i32 to vector<16xi32>
        %parallel_loop3A_327 = arith.cmpi ne, %parallel_loop3A_318, %parallel_loop3A_326 : vector<16xi32>
        %parallel_loop3A_328 = vector.broadcast %parallel_loop3A_307 : i32 to vector<16xi32>
        %parallel_loop3A_329 = arith.remsi %parallel_loop3A_306, %parallel_loop3A_328 : vector<16xi32>
        %parallel_loop3A_330 = arith.constant 0 : i32
        %parallel_loop3A_331 = vector.broadcast %parallel_loop3A_330 : i32 to vector<16xi32>
        %parallel_loop3A_332 = arith.cmpi ne, %parallel_loop3A_329, %parallel_loop3A_331 : vector<16xi32>
        %parallel_loop3A_333 = arith.andi %parallel_loop3A_327, %parallel_loop3A_332 : vector<16xi1>
        %parallel_loop3A_334 = arith.constant 1 : i32
        %parallel_loop3A_335 = vector.broadcast %parallel_loop3A_334 : i32 to vector<16xi32>
        %parallel_loop3A_336 = arith.subi %parallel_loop3A_309, %parallel_loop3A_335 : vector<16xi32>
        %parallel_loop3A_337 = arith.select %parallel_loop3A_333, %parallel_loop3A_336, %parallel_loop3A_309 : vector<16xi1>, vector<16xi32>
        %parallel_loop3A_338 = arith.constant 8 : i32
        %parallel_loop3A_339 = vector.broadcast %parallel_loop3A_338 : i32 to vector<16xi32>
        %parallel_loop3A_340 = arith.remsi %parallel_loop3A_306, %parallel_loop3A_339 : vector<16xi32>
        %parallel_loop3A_341 = arith.constant 8.000000e+00 : f32
        %parallel_loop3A_342 = vector.broadcast %parallel_loop3A_341 : f32 to vector<16xf32>
        %parallel_loop3A_343 = arith.mulf %parallel_loop3A_303, %parallel_loop3A_342 : vector<16xf32>
        tpu.vector_store_idx %arg12[%parallel_loop3A_337, %parallel_loop3A_340, %parallel_loop3A_257], %parallel_loop3A_343 : memref<8x8x129xf32, #tpu.memory_space<vmem>>[vector<16xi32>, vector<16xi32>, vector<16xi32>], vector<16xf32>,
        %parallel_loop3A_344 = arith.index_cast %parallel_loop3A_256 : i32 to index
        %parallel_loop3A_345 = arith.constant 32 : index
        %parallel_loop3A_346 = tpu.vector_load %arg8[%parallel_loop3A_344, %parallel_loop3A_345] {strides = array<i32>} : memref<128x64xf32, #tpu.memory_space<vmem>>, vector<16xf32>,
        %parallel_loop3A_347 = arith.constant 32 : i32
        %parallel_loop3A_348 = vector.broadcast %parallel_loop3A_347 : i32 to vector<16xi32>
        %parallel_loop3A_349 = arith.addi %parallel_loop3A_348, %iota3A : vector<16xi32>
        %parallel_loop3A_350 = arith.constant 8 : i32
        %parallel_loop3A_351 = vector.broadcast %parallel_loop3A_350 : i32 to vector<16xi32>
        %parallel_loop3A_352 = arith.divsi %parallel_loop3A_349, %parallel_loop3A_351 : vector<16xi32>
        %parallel_loop3A_353 = arith.constant 0 : i32
        %parallel_loop3A_354 = vector.broadcast %parallel_loop3A_353 : i32 to vector<16xi32>
        %parallel_loop3A_355 = arith.cmpi sgt, %parallel_loop3A_349, %parallel_loop3A_354 : vector<16xi32>
        %parallel_loop3A_356 = arith.extui %parallel_loop3A_355 : vector<16xi1> to vector<16xi32>
        %parallel_loop3A_357 = arith.constant 0 : i32
        %parallel_loop3A_358 = vector.broadcast %parallel_loop3A_357 : i32 to vector<16xi32>
        %parallel_loop3A_359 = arith.cmpi slt, %parallel_loop3A_349, %parallel_loop3A_358 : vector<16xi32>
        %parallel_loop3A_360 = arith.extui %parallel_loop3A_359 : vector<16xi1> to vector<16xi32>
        %parallel_loop3A_361 = arith.subi %parallel_loop3A_356, %parallel_loop3A_360 : vector<16xi32>
        %parallel_loop3A_362 = arith.constant 0 : i32
        %parallel_loop3A_363 = arith.cmpi sgt, %parallel_loop3A_350, %parallel_loop3A_362 : i32
        %parallel_loop3A_364 = arith.extui %parallel_loop3A_363 : i1 to i32
        %parallel_loop3A_365 = arith.constant 0 : i32
        %parallel_loop3A_366 = arith.cmpi slt, %parallel_loop3A_350, %parallel_loop3A_365 : i32
        %parallel_loop3A_367 = arith.extui %parallel_loop3A_366 : i1 to i32
        %parallel_loop3A_368 = arith.subi %parallel_loop3A_364, %parallel_loop3A_367 : i32
        %parallel_loop3A_369 = vector.broadcast %parallel_loop3A_368 : i32 to vector<16xi32>
        %parallel_loop3A_370 = arith.cmpi ne, %parallel_loop3A_361, %parallel_loop3A_369 : vector<16xi32>
        %parallel_loop3A_371 = vector.broadcast %parallel_loop3A_350 : i32 to vector<16xi32>
        %parallel_loop3A_372 = arith.remsi %parallel_loop3A_349, %parallel_loop3A_371 : vector<16xi32>
        %parallel_loop3A_373 = arith.constant 0 : i32
        %parallel_loop3A_374 = vector.broadcast %parallel_loop3A_373 : i32 to vector<16xi32>
        %parallel_loop3A_375 = arith.cmpi ne, %parallel_loop3A_372, %parallel_loop3A_374 : vector<16xi32>
        %parallel_loop3A_376 = arith.andi %parallel_loop3A_370, %parallel_loop3A_375 : vector<16xi1>
        %parallel_loop3A_377 = arith.constant 1 : i32
        %parallel_loop3A_378 = vector.broadcast %parallel_loop3A_377 : i32 to vector<16xi32>
        %parallel_loop3A_379 = arith.subi %parallel_loop3A_352, %parallel_loop3A_378 : vector<16xi32>
        %parallel_loop3A_380 = arith.select %parallel_loop3A_376, %parallel_loop3A_379, %parallel_loop3A_352 : vector<16xi1>, vector<16xi32>
        %parallel_loop3A_381 = arith.constant 8 : i32
        %parallel_loop3A_382 = vector.broadcast %parallel_loop3A_381 : i32 to vector<16xi32>
        %parallel_loop3A_383 = arith.remsi %parallel_loop3A_349, %parallel_loop3A_382 : vector<16xi32>
        %parallel_loop3A_384 = arith.constant 8.000000e+00 : f32
        %parallel_loop3A_385 = vector.broadcast %parallel_loop3A_384 : f32 to vector<16xf32>
        %parallel_loop3A_386 = arith.mulf %parallel_loop3A_346, %parallel_loop3A_385 : vector<16xf32>
        tpu.vector_store_idx %arg12[%parallel_loop3A_380, %parallel_loop3A_383, %parallel_loop3A_257], %parallel_loop3A_386 : memref<8x8x129xf32, #tpu.memory_space<vmem>>[vector<16xi32>, vector<16xi32>, vector<16xi32>], vector<16xf32>,
        %parallel_loop3A_387 = arith.index_cast %parallel_loop3A_256 : i32 to index
        %parallel_loop3A_388 = arith.constant 48 : index
        %parallel_loop3A_389 = tpu.vector_load %arg8[%parallel_loop3A_387, %parallel_loop3A_388] {strides = array<i32>} : memref<128x64xf32, #tpu.memory_space<vmem>>, vector<16xf32>,
        %parallel_loop3A_390 = arith.constant 48 : i32
        %parallel_loop3A_391 = vector.broadcast %parallel_loop3A_390 : i32 to vector<16xi32>
        %parallel_loop3A_392 = arith.addi %parallel_loop3A_391, %iota3A : vector<16xi32>
        %parallel_loop3A_393 = arith.constant 8 : i32
        %parallel_loop3A_394 = vector.broadcast %parallel_loop3A_393 : i32 to vector<16xi32>
        %parallel_loop3A_395 = arith.divsi %parallel_loop3A_392, %parallel_loop3A_394 : vector<16xi32>
        %parallel_loop3A_396 = arith.constant 0 : i32
        %parallel_loop3A_397 = vector.broadcast %parallel_loop3A_396 : i32 to vector<16xi32>
        %parallel_loop3A_398 = arith.cmpi sgt, %parallel_loop3A_392, %parallel_loop3A_397 : vector<16xi32>
        %parallel_loop3A_399 = arith.extui %parallel_loop3A_398 : vector<16xi1> to vector<16xi32>
        %parallel_loop3A_400 = arith.constant 0 : i32
        %parallel_loop3A_401 = vector.broadcast %parallel_loop3A_400 : i32 to vector<16xi32>
        %parallel_loop3A_402 = arith.cmpi slt, %parallel_loop3A_392, %parallel_loop3A_401 : vector<16xi32>
        %parallel_loop3A_403 = arith.extui %parallel_loop3A_402 : vector<16xi1> to vector<16xi32>
        %parallel_loop3A_404 = arith.subi %parallel_loop3A_399, %parallel_loop3A_403 : vector<16xi32>
        %parallel_loop3A_405 = arith.constant 0 : i32
        %parallel_loop3A_406 = arith.cmpi sgt, %parallel_loop3A_393, %parallel_loop3A_405 : i32
        %parallel_loop3A_407 = arith.extui %parallel_loop3A_406 : i1 to i32
        %parallel_loop3A_408 = arith.constant 0 : i32
        %parallel_loop3A_409 = arith.cmpi slt, %parallel_loop3A_393, %parallel_loop3A_408 : i32
        %parallel_loop3A_410 = arith.extui %parallel_loop3A_409 : i1 to i32
        %parallel_loop3A_411 = arith.subi %parallel_loop3A_407, %parallel_loop3A_410 : i32
        %parallel_loop3A_412 = vector.broadcast %parallel_loop3A_411 : i32 to vector<16xi32>
        %parallel_loop3A_413 = arith.cmpi ne, %parallel_loop3A_404, %parallel_loop3A_412 : vector<16xi32>
        %parallel_loop3A_414 = vector.broadcast %parallel_loop3A_393 : i32 to vector<16xi32>
        %parallel_loop3A_415 = arith.remsi %parallel_loop3A_392, %parallel_loop3A_414 : vector<16xi32>
        %parallel_loop3A_416 = arith.constant 0 : i32
        %parallel_loop3A_417 = vector.broadcast %parallel_loop3A_416 : i32 to vector<16xi32>
        %parallel_loop3A_418 = arith.cmpi ne, %parallel_loop3A_415, %parallel_loop3A_417 : vector<16xi32>
        %parallel_loop3A_419 = arith.andi %parallel_loop3A_413, %parallel_loop3A_418 : vector<16xi1>
        %parallel_loop3A_420 = arith.constant 1 : i32
        %parallel_loop3A_421 = vector.broadcast %parallel_loop3A_420 : i32 to vector<16xi32>
        %parallel_loop3A_422 = arith.subi %parallel_loop3A_395, %parallel_loop3A_421 : vector<16xi32>
        %parallel_loop3A_423 = arith.select %parallel_loop3A_419, %parallel_loop3A_422, %parallel_loop3A_395 : vector<16xi1>, vector<16xi32>
        %parallel_loop3A_424 = arith.constant 8 : i32
        %parallel_loop3A_425 = vector.broadcast %parallel_loop3A_424 : i32 to vector<16xi32>
        %parallel_loop3A_426 = arith.remsi %parallel_loop3A_392, %parallel_loop3A_425 : vector<16xi32>
        %parallel_loop3A_427 = arith.constant 8.000000e+00 : f32
        %parallel_loop3A_428 = vector.broadcast %parallel_loop3A_427 : f32 to vector<16xf32>
        %parallel_loop3A_429 = arith.mulf %parallel_loop3A_389, %parallel_loop3A_428 : vector<16xf32>
        tpu.vector_store_idx %arg12[%parallel_loop3A_423, %parallel_loop3A_426, %parallel_loop3A_257], %parallel_loop3A_429 : memref<8x8x129xf32, #tpu.memory_space<vmem>>[vector<16xi32>, vector<16xi32>, vector<16xi32>], vector<16xf32>,
      } {sc.loop_unroll_factor = 2 : i64, sc.parallel_access}
      %dma_start3A_199 = arith.constant 0 : i32
      %dma_start3A_200 = arith.constant 0 : i32
      %dma_start3A_201 = arith.constant 0 : i32
      %dma_start3A_202 = tpu.memref_slice %arg12[%dma_start3A_199, %dma_start3A_200, %dma_start3A_201] : memref<8x8x129xf32, #tpu.memory_space<vmem>> -> memref<8x8x128xf32, #tpu.memory_space<vmem>>
      %dma_start3A_203 = arith.constant 0 : i32
      %dma_start3A_204 = arith.constant 0 : i32
      %dma_start3A_205 = arith.constant 0 : i32
      %dma_start3A_206 = tpu.memref_slice %arg4[%add3A_179, %dma_start3A_203, %add3A, %dma_start3A_204, %dma_start3A_205] : memref<200x8x32x8x128xf32, #tpu.memory_space<hbm>> -> memref<1x8x1x8x128xf32, #tpu.memory_space<hbm>>
      %dma_start3A_207 = tpu.memref_squeeze %dma_start3A_206 : memref<1x8x1x8x128xf32, #tpu.memory_space<hbm>> -> memref<8x8x128xf32, #tpu.memory_space<hbm>>
      %dma_start3A_208 = arith.constant 0 : i32
      %dma_start3A_209 = arith.constant 0 : i32
      %dma_start3A_210 = arith.constant 0 : i32
      %dma_start3A_211 = tpu.memref_slice %arg4[%add3A_179, %dma_start3A_208, %add3A, %dma_start3A_209, %dma_start3A_210] : memref<200x8x32x8x128xf32, #tpu.memory_space<hbm>> -> memref<1x8x1x8x128xf32, #tpu.memory_space<hbm>>
      %dma_start3A_212 = tpu.memref_squeeze %dma_start3A_211 : memref<1x8x1x8x128xf32, #tpu.memory_space<hbm>> -> memref<8x8x128xf32, #tpu.memory_space<hbm>>
      %dma_start3A_213 = arith.constant 0 : i32
      %dma_start3A_214 = arith.constant 0 : i32
      %dma_start3A_215 = arith.constant 0 : i32
      %dma_start3A_216 = tpu.memref_slice %arg12[%dma_start3A_213, %dma_start3A_214, %dma_start3A_215] : memref<8x8x129xf32, #tpu.memory_space<vmem>> -> memref<8x8x128xf32, #tpu.memory_space<vmem>>
      tpu.enqueue_dma source(%dma_start3A_216 : memref<8x8x128xf32, #tpu.memory_space<vmem>>) target(%dma_start3A_212 : memref<8x8x128xf32, #tpu.memory_space<hbm>>) target_semaphore(%arg20 : memref<!tpu.dma_semaphore, #tpu.memory_space<semaphore_mem>>)
      %add3A_217 = arith.constant 3 : i32
      %add3A_218 = arith.addi %mul3A_103, %add3A_217 : i32
      %lt3A_219 = arith.constant 49 : i32
      %lt3A_220 = arith.cmpi slt, %scan3A_101, %lt3A_219 : i32
      %ge3A_221 = arith.constant 1 : i32
      %ge3A_222 = arith.cmpi sge, %scan3A_101, %ge3A_221 : i32
      %convert_element_type3A_223 = arith.extui %lt3A_220 : i1 to i32
      %cond3A_224 = arith.constant 0 : i32
      %cond3A_225 = arith.cmpi ne, %convert_element_type3A_223, %cond3A_224 : i32
      scf.if %cond3A_225 {
        %add3A_256 = arith.constant 3 : i32
        %add3A_257 = arith.addi %add3A_218, %add3A_256 : i32
        %dma_start3A_258 = arith.constant 0 : i32
        %dma_start3A_259 = tpu.memref_slice %arg5[%add3A_257, %dma_start3A_258] : memref<200x128xi32, #tpu.memory_space<vmem>> -> memref<1x128xi32, #tpu.memory_space<vmem>>
        %dma_start3A_260 = tpu.memref_squeeze %dma_start3A_259 : memref<1x128xi32, #tpu.memory_space<vmem>> -> memref<128xi32, #tpu.memory_space<vmem>>
        %dma_start3A_261 = arith.constant 0 : i32
        %dma_start3A_262 = arith.constant 0 : i32
        %dma_start3A_263 = tpu.memref_slice %arg3[%dma_start3A_261, %dma_start3A_262] : memref<1000000x64xf32, #tpu.memory_space<hbm>> -> memref<1000000x64xf32, #tpu.memory_space<hbm>>
        tpu.enqueue_indirect_dma source(%dma_start3A_263 : memref<1000000x64xf32, #tpu.memory_space<hbm>>) target(%arg8 : memref<128x64xf32, #tpu.memory_space<vmem>>) offsets(%dma_start3A_260 : memref<128xi32, #tpu.memory_space<vmem>>) semaphore(%arg16 : memref<!tpu.dma_semaphore, #tpu.memory_space<semaphore_mem>>)
      } else {
      }
      %dma_wait3A_226 = arith.constant 0 : i32
      %dma_wait3A_227 = tpu.memref_slice %arg5[%add3A_218, %dma_wait3A_226] : memref<200x128xi32, #tpu.memory_space<vmem>> -> memref<1x128xi32, #tpu.memory_space<vmem>>
      %dma_wait3A_228 = tpu.memref_squeeze %dma_wait3A_227 : memref<1x128xi32, #tpu.memory_space<vmem>> -> memref<128xi32, #tpu.memory_space<vmem>>
      %dma_wait3A_229 = arith.constant 0 : i32
      %dma_wait3A_230 = arith.constant 0 : i32
      %dma_wait3A_231 = tpu.memref_slice %arg3[%dma_wait3A_229, %dma_wait3A_230] : memref<1000000x64xf32, #tpu.memory_space<hbm>> -> memref<1000000x64xf32, #tpu.memory_space<hbm>>
      tpu.wait_indirect_dma semaphore(%arg17 : memref<!tpu.dma_semaphore, #tpu.memory_space<semaphore_mem>>) src(%dma_wait3A_231 : memref<1000000x64xf32, #tpu.memory_space<hbm>>) dst(%arg9 : memref<128x64xf32, #tpu.memory_space<vmem>>)
      %convert_element_type3A_232 = arith.extui %ge3A_222 : i1 to i32
      %cond3A_233 = arith.constant 0 : i32
      %cond3A_234 = arith.cmpi ne, %convert_element_type3A_232, %cond3A_233 : i32
      scf.if %cond3A_234 {
        %sub3A = arith.constant 4 : i32
        %sub3A_256 = arith.subi %add3A_218, %sub3A : i32
        %dma_wait3A_257 = arith.constant 0 : i32
        %dma_wait3A_258 = arith.constant 0 : i32
        %dma_wait3A_259 = arith.constant 0 : i32
        %dma_wait3A_260 = tpu.memref_slice %arg13[%dma_wait3A_257, %dma_wait3A_258, %dma_wait3A_259] : memref<8x8x129xf32, #tpu.memory_space<vmem>> -> memref<8x8x128xf32, #tpu.memory_space<vmem>>
        %dma_wait3A_261 = arith.constant 0 : i32
        %dma_wait3A_262 = arith.constant 0 : i32
        %dma_wait3A_263 = arith.constant 0 : i32
        %dma_wait3A_264 = tpu.memref_slice %arg4[%sub3A_256, %dma_wait3A_261, %add3A, %dma_wait3A_262, %dma_wait3A_263] : memref<200x8x32x8x128xf32, #tpu.memory_space<hbm>> -> memref<1x8x1x8x128xf32, #tpu.memory_space<hbm>>
        %dma_wait3A_265 = tpu.memref_squeeze %dma_wait3A_264 : memref<1x8x1x8x128xf32, #tpu.memory_space<hbm>> -> memref<8x8x128xf32, #tpu.memory_space<hbm>>
        %dma_wait3A_266 = arith.constant 0 : i32
        %dma_wait3A_267 = arith.constant 0 : i32
        %dma_wait3A_268 = arith.constant 0 : i32
        %dma_wait3A_269 = tpu.memref_slice %arg4[%sub3A_256, %dma_wait3A_266, %add3A, %dma_wait3A_267, %dma_wait3A_268] : memref<200x8x32x8x128xf32, #tpu.memory_space<hbm>> -> memref<1x8x1x8x128xf32, #tpu.memory_space<hbm>>
        %dma_wait3A_270 = tpu.memref_squeeze %dma_wait3A_269 : memref<1x8x1x8x128xf32, #tpu.memory_space<hbm>> -> memref<8x8x128xf32, #tpu.memory_space<hbm>>
        %dma_wait3A_271 = arith.constant 0 : i32
        %dma_wait3A_272 = arith.constant 0 : i32
        %dma_wait3A_273 = arith.constant 0 : i32
        %dma_wait3A_274 = tpu.memref_slice %arg13[%dma_wait3A_271, %dma_wait3A_272, %dma_wait3A_273] : memref<8x8x129xf32, #tpu.memory_space<vmem>> -> memref<8x8x128xf32, #tpu.memory_space<vmem>>
        tpu.wait_dma2 semaphore(%arg21 : memref<!tpu.dma_semaphore, #tpu.memory_space<semaphore_mem>>) src(%dma_wait3A_274 : memref<8x8x128xf32, #tpu.memory_space<vmem>>) dst(%dma_wait3A_270 : memref<8x8x128xf32, #tpu.memory_space<hbm>>)
      } else {
      }
      %parallel_loop3A_235 = arith.constant 0 : i32
      %parallel_loop3A_236 = arith.constant 128 : i32
      %parallel_loop3A_237 = arith.constant 1 : i32
      scf.for %parallel_loop3A_256 = %parallel_loop3A_235 to %parallel_loop3A_236 step %parallel_loop3A_237  : i32 {
        %parallel_loop3A_257 = vector.broadcast %parallel_loop3A_256 : i32 to vector<16xi32>
        %parallel_loop3A_258 = arith.index_cast %parallel_loop3A_256 : i32 to index
        %parallel_loop3A_259 = arith.constant 0 : index
        %parallel_loop3A_260 = tpu.vector_load %arg9[%parallel_loop3A_258, %parallel_loop3A_259] {strides = array<i32>} : memref<128x64xf32, #tpu.memory_space<vmem>>, vector<16xf32>,
        %parallel_loop3A_261 = arith.constant 0 : i32
        %parallel_loop3A_262 = vector.broadcast %parallel_loop3A_261 : i32 to vector<16xi32>
        %parallel_loop3A_263 = arith.addi %parallel_loop3A_262, %iota3A : vector<16xi32>
        %parallel_loop3A_264 = arith.constant 8 : i32
        %parallel_loop3A_265 = vector.broadcast %parallel_loop3A_264 : i32 to vector<16xi32>
        %parallel_loop3A_266 = arith.divsi %parallel_loop3A_263, %parallel_loop3A_265 : vector<16xi32>
        %parallel_loop3A_267 = arith.constant 0 : i32
        %parallel_loop3A_268 = vector.broadcast %parallel_loop3A_267 : i32 to vector<16xi32>
        %parallel_loop3A_269 = arith.cmpi sgt, %parallel_loop3A_263, %parallel_loop3A_268 : vector<16xi32>
        %parallel_loop3A_270 = arith.extui %parallel_loop3A_269 : vector<16xi1> to vector<16xi32>
        %parallel_loop3A_271 = arith.constant 0 : i32
        %parallel_loop3A_272 = vector.broadcast %parallel_loop3A_271 : i32 to vector<16xi32>
        %parallel_loop3A_273 = arith.cmpi slt, %parallel_loop3A_263, %parallel_loop3A_272 : vector<16xi32>
        %parallel_loop3A_274 = arith.extui %parallel_loop3A_273 : vector<16xi1> to vector<16xi32>
        %parallel_loop3A_275 = arith.subi %parallel_loop3A_270, %parallel_loop3A_274 : vector<16xi32>
        %parallel_loop3A_276 = arith.constant 0 : i32
        %parallel_loop3A_277 = arith.cmpi sgt, %parallel_loop3A_264, %parallel_loop3A_276 : i32
        %parallel_loop3A_278 = arith.extui %parallel_loop3A_277 : i1 to i32
        %parallel_loop3A_279 = arith.constant 0 : i32
        %parallel_loop3A_280 = arith.cmpi slt, %parallel_loop3A_264, %parallel_loop3A_279 : i32
        %parallel_loop3A_281 = arith.extui %parallel_loop3A_280 : i1 to i32
        %parallel_loop3A_282 = arith.subi %parallel_loop3A_278, %parallel_loop3A_281 : i32
        %parallel_loop3A_283 = vector.broadcast %parallel_loop3A_282 : i32 to vector<16xi32>
        %parallel_loop3A_284 = arith.cmpi ne, %parallel_loop3A_275, %parallel_loop3A_283 : vector<16xi32>
        %parallel_loop3A_285 = vector.broadcast %parallel_loop3A_264 : i32 to vector<16xi32>
        %parallel_loop3A_286 = arith.remsi %parallel_loop3A_263, %parallel_loop3A_285 : vector<16xi32>
        %parallel_loop3A_287 = arith.constant 0 : i32
        %parallel_loop3A_288 = vector.broadcast %parallel_loop3A_287 : i32 to vector<16xi32>
        %parallel_loop3A_289 = arith.cmpi ne, %parallel_loop3A_286, %parallel_loop3A_288 : vector<16xi32>
        %parallel_loop3A_290 = arith.andi %parallel_loop3A_284, %parallel_loop3A_289 : vector<16xi1>
        %parallel_loop3A_291 = arith.constant 1 : i32
        %parallel_loop3A_292 = vector.broadcast %parallel_loop3A_291 : i32 to vector<16xi32>
        %parallel_loop3A_293 = arith.subi %parallel_loop3A_266, %parallel_loop3A_292 : vector<16xi32>
        %parallel_loop3A_294 = arith.select %parallel_loop3A_290, %parallel_loop3A_293, %parallel_loop3A_266 : vector<16xi1>, vector<16xi32>
        %parallel_loop3A_295 = arith.constant 8 : i32
        %parallel_loop3A_296 = vector.broadcast %parallel_loop3A_295 : i32 to vector<16xi32>
        %parallel_loop3A_297 = arith.remsi %parallel_loop3A_263, %parallel_loop3A_296 : vector<16xi32>
        %parallel_loop3A_298 = arith.constant 8.000000e+00 : f32
        %parallel_loop3A_299 = vector.broadcast %parallel_loop3A_298 : f32 to vector<16xf32>
        %parallel_loop3A_300 = arith.mulf %parallel_loop3A_260, %parallel_loop3A_299 : vector<16xf32>
        tpu.vector_store_idx %arg13[%parallel_loop3A_294, %parallel_loop3A_297, %parallel_loop3A_257], %parallel_loop3A_300 : memref<8x8x129xf32, #tpu.memory_space<vmem>>[vector<16xi32>, vector<16xi32>, vector<16xi32>], vector<16xf32>,
        %parallel_loop3A_301 = arith.index_cast %parallel_loop3A_256 : i32 to index
        %parallel_loop3A_302 = arith.constant 16 : index
        %parallel_loop3A_303 = tpu.vector_load %arg9[%parallel_loop3A_301, %parallel_loop3A_302] {strides = array<i32>} : memref<128x64xf32, #tpu.memory_space<vmem>>, vector<16xf32>,
        %parallel_loop3A_304 = arith.constant 16 : i32
        %parallel_loop3A_305 = vector.broadcast %parallel_loop3A_304 : i32 to vector<16xi32>
        %parallel_loop3A_306 = arith.addi %parallel_loop3A_305, %iota3A : vector<16xi32>
        %parallel_loop3A_307 = arith.constant 8 : i32
        %parallel_loop3A_308 = vector.broadcast %parallel_loop3A_307 : i32 to vector<16xi32>
        %parallel_loop3A_309 = arith.divsi %parallel_loop3A_306, %parallel_loop3A_308 : vector<16xi32>
        %parallel_loop3A_310 = arith.constant 0 : i32
        %parallel_loop3A_311 = vector.broadcast %parallel_loop3A_310 : i32 to vector<16xi32>
        %parallel_loop3A_312 = arith.cmpi sgt, %parallel_loop3A_306, %parallel_loop3A_311 : vector<16xi32>
        %parallel_loop3A_313 = arith.extui %parallel_loop3A_312 : vector<16xi1> to vector<16xi32>
        %parallel_loop3A_314 = arith.constant 0 : i32
        %parallel_loop3A_315 = vector.broadcast %parallel_loop3A_314 : i32 to vector<16xi32>
        %parallel_loop3A_316 = arith.cmpi slt, %parallel_loop3A_306, %parallel_loop3A_315 : vector<16xi32>
        %parallel_loop3A_317 = arith.extui %parallel_loop3A_316 : vector<16xi1> to vector<16xi32>
        %parallel_loop3A_318 = arith.subi %parallel_loop3A_313, %parallel_loop3A_317 : vector<16xi32>
        %parallel_loop3A_319 = arith.constant 0 : i32
        %parallel_loop3A_320 = arith.cmpi sgt, %parallel_loop3A_307, %parallel_loop3A_319 : i32
        %parallel_loop3A_321 = arith.extui %parallel_loop3A_320 : i1 to i32
        %parallel_loop3A_322 = arith.constant 0 : i32
        %parallel_loop3A_323 = arith.cmpi slt, %parallel_loop3A_307, %parallel_loop3A_322 : i32
        %parallel_loop3A_324 = arith.extui %parallel_loop3A_323 : i1 to i32
        %parallel_loop3A_325 = arith.subi %parallel_loop3A_321, %parallel_loop3A_324 : i32
        %parallel_loop3A_326 = vector.broadcast %parallel_loop3A_325 : i32 to vector<16xi32>
        %parallel_loop3A_327 = arith.cmpi ne, %parallel_loop3A_318, %parallel_loop3A_326 : vector<16xi32>
        %parallel_loop3A_328 = vector.broadcast %parallel_loop3A_307 : i32 to vector<16xi32>
        %parallel_loop3A_329 = arith.remsi %parallel_loop3A_306, %parallel_loop3A_328 : vector<16xi32>
        %parallel_loop3A_330 = arith.constant 0 : i32
        %parallel_loop3A_331 = vector.broadcast %parallel_loop3A_330 : i32 to vector<16xi32>
        %parallel_loop3A_332 = arith.cmpi ne, %parallel_loop3A_329, %parallel_loop3A_331 : vector<16xi32>
        %parallel_loop3A_333 = arith.andi %parallel_loop3A_327, %parallel_loop3A_332 : vector<16xi1>
        %parallel_loop3A_334 = arith.constant 1 : i32
        %parallel_loop3A_335 = vector.broadcast %parallel_loop3A_334 : i32 to vector<16xi32>
        %parallel_loop3A_336 = arith.subi %parallel_loop3A_309, %parallel_loop3A_335 : vector<16xi32>
        %parallel_loop3A_337 = arith.select %parallel_loop3A_333, %parallel_loop3A_336, %parallel_loop3A_309 : vector<16xi1>, vector<16xi32>
        %parallel_loop3A_338 = arith.constant 8 : i32
        %parallel_loop3A_339 = vector.broadcast %parallel_loop3A_338 : i32 to vector<16xi32>
        %parallel_loop3A_340 = arith.remsi %parallel_loop3A_306, %parallel_loop3A_339 : vector<16xi32>
        %parallel_loop3A_341 = arith.constant 8.000000e+00 : f32
        %parallel_loop3A_342 = vector.broadcast %parallel_loop3A_341 : f32 to vector<16xf32>
        %parallel_loop3A_343 = arith.mulf %parallel_loop3A_303, %parallel_loop3A_342 : vector<16xf32>
        tpu.vector_store_idx %arg13[%parallel_loop3A_337, %parallel_loop3A_340, %parallel_loop3A_257], %parallel_loop3A_343 : memref<8x8x129xf32, #tpu.memory_space<vmem>>[vector<16xi32>, vector<16xi32>, vector<16xi32>], vector<16xf32>,
        %parallel_loop3A_344 = arith.index_cast %parallel_loop3A_256 : i32 to index
        %parallel_loop3A_345 = arith.constant 32 : index
        %parallel_loop3A_346 = tpu.vector_load %arg9[%parallel_loop3A_344, %parallel_loop3A_345] {strides = array<i32>} : memref<128x64xf32, #tpu.memory_space<vmem>>, vector<16xf32>,
        %parallel_loop3A_347 = arith.constant 32 : i32
        %parallel_loop3A_348 = vector.broadcast %parallel_loop3A_347 : i32 to vector<16xi32>
        %parallel_loop3A_349 = arith.addi %parallel_loop3A_348, %iota3A : vector<16xi32>
        %parallel_loop3A_350 = arith.constant 8 : i32
        %parallel_loop3A_351 = vector.broadcast %parallel_loop3A_350 : i32 to vector<16xi32>
        %parallel_loop3A_352 = arith.divsi %parallel_loop3A_349, %parallel_loop3A_351 : vector<16xi32>
        %parallel_loop3A_353 = arith.constant 0 : i32
        %parallel_loop3A_354 = vector.broadcast %parallel_loop3A_353 : i32 to vector<16xi32>
        %parallel_loop3A_355 = arith.cmpi sgt, %parallel_loop3A_349, %parallel_loop3A_354 : vector<16xi32>
        %parallel_loop3A_356 = arith.extui %parallel_loop3A_355 : vector<16xi1> to vector<16xi32>
        %parallel_loop3A_357 = arith.constant 0 : i32
        %parallel_loop3A_358 = vector.broadcast %parallel_loop3A_357 : i32 to vector<16xi32>
        %parallel_loop3A_359 = arith.cmpi slt, %parallel_loop3A_349, %parallel_loop3A_358 : vector<16xi32>
        %parallel_loop3A_360 = arith.extui %parallel_loop3A_359 : vector<16xi1> to vector<16xi32>
        %parallel_loop3A_361 = arith.subi %parallel_loop3A_356, %parallel_loop3A_360 : vector<16xi32>
        %parallel_loop3A_362 = arith.constant 0 : i32
        %parallel_loop3A_363 = arith.cmpi sgt, %parallel_loop3A_350, %parallel_loop3A_362 : i32
        %parallel_loop3A_364 = arith.extui %parallel_loop3A_363 : i1 to i32
        %parallel_loop3A_365 = arith.constant 0 : i32
        %parallel_loop3A_366 = arith.cmpi slt, %parallel_loop3A_350, %parallel_loop3A_365 : i32
        %parallel_loop3A_367 = arith.extui %parallel_loop3A_366 : i1 to i32
        %parallel_loop3A_368 = arith.subi %parallel_loop3A_364, %parallel_loop3A_367 : i32
        %parallel_loop3A_369 = vector.broadcast %parallel_loop3A_368 : i32 to vector<16xi32>
        %parallel_loop3A_370 = arith.cmpi ne, %parallel_loop3A_361, %parallel_loop3A_369 : vector<16xi32>
        %parallel_loop3A_371 = vector.broadcast %parallel_loop3A_350 : i32 to vector<16xi32>
        %parallel_loop3A_372 = arith.remsi %parallel_loop3A_349, %parallel_loop3A_371 : vector<16xi32>
        %parallel_loop3A_373 = arith.constant 0 : i32
        %parallel_loop3A_374 = vector.broadcast %parallel_loop3A_373 : i32 to vector<16xi32>
        %parallel_loop3A_375 = arith.cmpi ne, %parallel_loop3A_372, %parallel_loop3A_374 : vector<16xi32>
        %parallel_loop3A_376 = arith.andi %parallel_loop3A_370, %parallel_loop3A_375 : vector<16xi1>
        %parallel_loop3A_377 = arith.constant 1 : i32
        %parallel_loop3A_378 = vector.broadcast %parallel_loop3A_377 : i32 to vector<16xi32>
        %parallel_loop3A_379 = arith.subi %parallel_loop3A_352, %parallel_loop3A_378 : vector<16xi32>
        %parallel_loop3A_380 = arith.select %parallel_loop3A_376, %parallel_loop3A_379, %parallel_loop3A_352 : vector<16xi1>, vector<16xi32>
        %parallel_loop3A_381 = arith.constant 8 : i32
        %parallel_loop3A_382 = vector.broadcast %parallel_loop3A_381 : i32 to vector<16xi32>
        %parallel_loop3A_383 = arith.remsi %parallel_loop3A_349, %parallel_loop3A_382 : vector<16xi32>
        %parallel_loop3A_384 = arith.constant 8.000000e+00 : f32
        %parallel_loop3A_385 = vector.broadcast %parallel_loop3A_384 : f32 to vector<16xf32>
        %parallel_loop3A_386 = arith.mulf %parallel_loop3A_346, %parallel_loop3A_385 : vector<16xf32>
        tpu.vector_store_idx %arg13[%parallel_loop3A_380, %parallel_loop3A_383, %parallel_loop3A_257], %parallel_loop3A_386 : memref<8x8x129xf32, #tpu.memory_space<vmem>>[vector<16xi32>, vector<16xi32>, vector<16xi32>], vector<16xf32>,
        %parallel_loop3A_387 = arith.index_cast %parallel_loop3A_256 : i32 to index
        %parallel_loop3A_388 = arith.constant 48 : index
        %parallel_loop3A_389 = tpu.vector_load %arg9[%parallel_loop3A_387, %parallel_loop3A_388] {strides = array<i32>} : memref<128x64xf32, #tpu.memory_space<vmem>>, vector<16xf32>,
        %parallel_loop3A_390 = arith.constant 48 : i32
        %parallel_loop3A_391 = vector.broadcast %parallel_loop3A_390 : i32 to vector<16xi32>
        %parallel_loop3A_392 = arith.addi %parallel_loop3A_391, %iota3A : vector<16xi32>
        %parallel_loop3A_393 = arith.constant 8 : i32
        %parallel_loop3A_394 = vector.broadcast %parallel_loop3A_393 : i32 to vector<16xi32>
        %parallel_loop3A_395 = arith.divsi %parallel_loop3A_392, %parallel_loop3A_394 : vector<16xi32>
        %parallel_loop3A_396 = arith.constant 0 : i32
        %parallel_loop3A_397 = vector.broadcast %parallel_loop3A_396 : i32 to vector<16xi32>
        %parallel_loop3A_398 = arith.cmpi sgt, %parallel_loop3A_392, %parallel_loop3A_397 : vector<16xi32>
        %parallel_loop3A_399 = arith.extui %parallel_loop3A_398 : vector<16xi1> to vector<16xi32>
        %parallel_loop3A_400 = arith.constant 0 : i32
        %parallel_loop3A_401 = vector.broadcast %parallel_loop3A_400 : i32 to vector<16xi32>
        %parallel_loop3A_402 = arith.cmpi slt, %parallel_loop3A_392, %parallel_loop3A_401 : vector<16xi32>
        %parallel_loop3A_403 = arith.extui %parallel_loop3A_402 : vector<16xi1> to vector<16xi32>
        %parallel_loop3A_404 = arith.subi %parallel_loop3A_399, %parallel_loop3A_403 : vector<16xi32>
        %parallel_loop3A_405 = arith.constant 0 : i32
        %parallel_loop3A_406 = arith.cmpi sgt, %parallel_loop3A_393, %parallel_loop3A_405 : i32
        %parallel_loop3A_407 = arith.extui %parallel_loop3A_406 : i1 to i32
        %parallel_loop3A_408 = arith.constant 0 : i32
        %parallel_loop3A_409 = arith.cmpi slt, %parallel_loop3A_393, %parallel_loop3A_408 : i32
        %parallel_loop3A_410 = arith.extui %parallel_loop3A_409 : i1 to i32
        %parallel_loop3A_411 = arith.subi %parallel_loop3A_407, %parallel_loop3A_410 : i32
        %parallel_loop3A_412 = vector.broadcast %parallel_loop3A_411 : i32 to vector<16xi32>
        %parallel_loop3A_413 = arith.cmpi ne, %parallel_loop3A_404, %parallel_loop3A_412 : vector<16xi32>
        %parallel_loop3A_414 = vector.broadcast %parallel_loop3A_393 : i32 to vector<16xi32>
        %parallel_loop3A_415 = arith.remsi %parallel_loop3A_392, %parallel_loop3A_414 : vector<16xi32>
        %parallel_loop3A_416 = arith.constant 0 : i32
        %parallel_loop3A_417 = vector.broadcast %parallel_loop3A_416 : i32 to vector<16xi32>
        %parallel_loop3A_418 = arith.cmpi ne, %parallel_loop3A_415, %parallel_loop3A_417 : vector<16xi32>
        %parallel_loop3A_419 = arith.andi %parallel_loop3A_413, %parallel_loop3A_418 : vector<16xi1>
        %parallel_loop3A_420 = arith.constant 1 : i32
        %parallel_loop3A_421 = vector.broadcast %parallel_loop3A_420 : i32 to vector<16xi32>
        %parallel_loop3A_422 = arith.subi %parallel_loop3A_395, %parallel_loop3A_421 : vector<16xi32>
        %parallel_loop3A_423 = arith.select %parallel_loop3A_419, %parallel_loop3A_422, %parallel_loop3A_395 : vector<16xi1>, vector<16xi32>
        %parallel_loop3A_424 = arith.constant 8 : i32
        %parallel_loop3A_425 = vector.broadcast %parallel_loop3A_424 : i32 to vector<16xi32>
        %parallel_loop3A_426 = arith.remsi %parallel_loop3A_392, %parallel_loop3A_425 : vector<16xi32>
        %parallel_loop3A_427 = arith.constant 8.000000e+00 : f32
        %parallel_loop3A_428 = vector.broadcast %parallel_loop3A_427 : f32 to vector<16xf32>
        %parallel_loop3A_429 = arith.mulf %parallel_loop3A_389, %parallel_loop3A_428 : vector<16xf32>
        tpu.vector_store_idx %arg13[%parallel_loop3A_423, %parallel_loop3A_426, %parallel_loop3A_257], %parallel_loop3A_429 : memref<8x8x129xf32, #tpu.memory_space<vmem>>[vector<16xi32>, vector<16xi32>, vector<16xi32>], vector<16xf32>,
      } {sc.loop_unroll_factor = 2 : i64, sc.parallel_access}
      %dma_start3A_238 = arith.constant 0 : i32
      %dma_start3A_239 = arith.constant 0 : i32
      %dma_start3A_240 = arith.constant 0 : i32
      %dma_start3A_241 = tpu.memref_slice %arg13[%dma_start3A_238, %dma_start3A_239, %dma_start3A_240] : memref<8x8x129xf32, #tpu.memory_space<vmem>> -> memref<8x8x128xf32, #tpu.memory_space<vmem>>
      %dma_start3A_242 = arith.constant 0 : i32
      %dma_start3A_243 = arith.constant 0 : i32
      %dma_start3A_244 = arith.constant 0 : i32
      %dma_start3A_245 = tpu.memref_slice %arg4[%add3A_218, %dma_start3A_242, %add3A, %dma_start3A_243, %dma_start3A_244] : memref<200x8x32x8x128xf32, #tpu.memory_space<hbm>> -> memref<1x8x1x8x128xf32, #tpu.memory_space<hbm>>
      %dma_start3A_246 = tpu.memref_squeeze %dma_start3A_245 : memref<1x8x1x8x128xf32, #tpu.memory_space<hbm>> -> memref<8x8x128xf32, #tpu.memory_space<hbm>>
      %dma_start3A_247 = arith.constant 0 : i32
      %dma_start3A_248 = arith.constant 0 : i32
      %dma_start3A_249 = arith.constant 0 : i32
      %dma_start3A_250 = tpu.memref_slice %arg4[%add3A_218, %dma_start3A_247, %add3A, %dma_start3A_248, %dma_start3A_249] : memref<200x8x32x8x128xf32, #tpu.memory_space<hbm>> -> memref<1x8x1x8x128xf32, #tpu.memory_space<hbm>>
      %dma_start3A_251 = tpu.memref_squeeze %dma_start3A_250 : memref<1x8x1x8x128xf32, #tpu.memory_space<hbm>> -> memref<8x8x128xf32, #tpu.memory_space<hbm>>
      %dma_start3A_252 = arith.constant 0 : i32
      %dma_start3A_253 = arith.constant 0 : i32
      %dma_start3A_254 = arith.constant 0 : i32
      %dma_start3A_255 = tpu.memref_slice %arg13[%dma_start3A_252, %dma_start3A_253, %dma_start3A_254] : memref<8x8x129xf32, #tpu.memory_space<vmem>> -> memref<8x8x128xf32, #tpu.memory_space<vmem>>
      tpu.enqueue_dma source(%dma_start3A_255 : memref<8x8x128xf32, #tpu.memory_space<vmem>>) target(%dma_start3A_251 : memref<8x8x128xf32, #tpu.memory_space<hbm>>) target_semaphore(%arg21 : memref<!tpu.dma_semaphore, #tpu.memory_space<semaphore_mem>>)
    }
    %scan3A_25 = arith.constant 50 : i32
    %dma_wait3A = arith.constant 196 : i32
    %dma_wait3A_26 = arith.constant 0 : i32
    %dma_wait3A_27 = arith.constant 0 : i32
    %dma_wait3A_28 = arith.constant 0 : i32
    %dma_wait3A_29 = tpu.memref_slice %arg10[%dma_wait3A_26, %dma_wait3A_27, %dma_wait3A_28] : memref<8x8x129xf32, #tpu.memory_space<vmem>> -> memref<8x8x128xf32, #tpu.memory_space<vmem>>
    %dma_wait3A_30 = arith.constant 0 : i32
    %dma_wait3A_31 = arith.constant 0 : i32
    %dma_wait3A_32 = arith.constant 0 : i32
    %dma_wait3A_33 = tpu.memref_slice %arg4[%dma_wait3A, %dma_wait3A_30, %add3A, %dma_wait3A_31, %dma_wait3A_32] : memref<200x8x32x8x128xf32, #tpu.memory_space<hbm>> -> memref<1x8x1x8x128xf32, #tpu.memory_space<hbm>>
    %dma_wait3A_34 = tpu.memref_squeeze %dma_wait3A_33 : memref<1x8x1x8x128xf32, #tpu.memory_space<hbm>> -> memref<8x8x128xf32, #tpu.memory_space<hbm>>
    %dma_wait3A_35 = arith.constant 0 : i32
    %dma_wait3A_36 = arith.constant 0 : i32
    %dma_wait3A_37 = arith.constant 0 : i32
    %dma_wait3A_38 = tpu.memref_slice %arg4[%dma_wait3A, %dma_wait3A_35, %add3A, %dma_wait3A_36, %dma_wait3A_37] : memref<200x8x32x8x128xf32, #tpu.memory_space<hbm>> -> memref<1x8x1x8x128xf32, #tpu.memory_space<hbm>>
    %dma_wait3A_39 = tpu.memref_squeeze %dma_wait3A_38 : memref<1x8x1x8x128xf32, #tpu.memory_space<hbm>> -> memref<8x8x128xf32, #tpu.memory_space<hbm>>
    %dma_wait3A_40 = arith.constant 0 : i32
    %dma_wait3A_41 = arith.constant 0 : i32
    %dma_wait3A_42 = arith.constant 0 : i32
    %dma_wait3A_43 = tpu.memref_slice %arg10[%dma_wait3A_40, %dma_wait3A_41, %dma_wait3A_42] : memref<8x8x129xf32, #tpu.memory_space<vmem>> -> memref<8x8x128xf32, #tpu.memory_space<vmem>>
    tpu.wait_dma2 semaphore(%arg18 : memref<!tpu.dma_semaphore, #tpu.memory_space<semaphore_mem>>) src(%dma_wait3A_43 : memref<8x8x128xf32, #tpu.memory_space<vmem>>) dst(%dma_wait3A_39 : memref<8x8x128xf32, #tpu.memory_space<hbm>>)
    %dma_wait3A_44 = arith.constant 197 : i32
    %dma_wait3A_45 = arith.constant 0 : i32
    %dma_wait3A_46 = arith.constant 0 : i32
    %dma_wait3A_47 = arith.constant 0 : i32
    %dma_wait3A_48 = tpu.memref_slice %arg11[%dma_wait3A_45, %dma_wait3A_46, %dma_wait3A_47] : memref<8x8x129xf32, #tpu.memory_space<vmem>> -> memref<8x8x128xf32, #tpu.memory_space<vmem>>
    %dma_wait3A_49 = arith.constant 0 : i32
    %dma_wait3A_50 = arith.constant 0 : i32
    %dma_wait3A_51 = arith.constant 0 : i32
    %dma_wait3A_52 = tpu.memref_slice %arg4[%dma_wait3A_44, %dma_wait3A_49, %add3A, %dma_wait3A_50, %dma_wait3A_51] : memref<200x8x32x8x128xf32, #tpu.memory_space<hbm>> -> memref<1x8x1x8x128xf32, #tpu.memory_space<hbm>>
    %dma_wait3A_53 = tpu.memref_squeeze %dma_wait3A_52 : memref<1x8x1x8x128xf32, #tpu.memory_space<hbm>> -> memref<8x8x128xf32, #tpu.memory_space<hbm>>
    %dma_wait3A_54 = arith.constant 0 : i32
    %dma_wait3A_55 = arith.constant 0 : i32
    %dma_wait3A_56 = arith.constant 0 : i32
    %dma_wait3A_57 = tpu.memref_slice %arg4[%dma_wait3A_44, %dma_wait3A_54, %add3A, %dma_wait3A_55, %dma_wait3A_56] : memref<200x8x32x8x128xf32, #tpu.memory_space<hbm>> -> memref<1x8x1x8x128xf32, #tpu.memory_space<hbm>>
    %dma_wait3A_58 = tpu.memref_squeeze %dma_wait3A_57 : memref<1x8x1x8x128xf32, #tpu.memory_space<hbm>> -> memref<8x8x128xf32, #tpu.memory_space<hbm>>
    %dma_wait3A_59 = arith.constant 0 : i32
    %dma_wait3A_60 = arith.constant 0 : i32
    %dma_wait3A_61 = arith.constant 0 : i32
    %dma_wait3A_62 = tpu.memref_slice %arg11[%dma_wait3A_59, %dma_wait3A_60, %dma_wait3A_61] : memref<8x8x129xf32, #tpu.memory_space<vmem>> -> memref<8x8x128xf32, #tpu.memory_space<vmem>>
    tpu.wait_dma2 semaphore(%arg19 : memref<!tpu.dma_semaphore, #tpu.memory_space<semaphore_mem>>) src(%dma_wait3A_62 : memref<8x8x128xf32, #tpu.memory_space<vmem>>) dst(%dma_wait3A_58 : memref<8x8x128xf32, #tpu.memory_space<hbm>>)
    %dma_wait3A_63 = arith.constant 198 : i32
    %dma_wait3A_64 = arith.constant 0 : i32
    %dma_wait3A_65 = arith.constant 0 : i32
    %dma_wait3A_66 = arith.constant 0 : i32
    %dma_wait3A_67 = tpu.memref_slice %arg12[%dma_wait3A_64, %dma_wait3A_65, %dma_wait3A_66] : memref<8x8x129xf32, #tpu.memory_space<vmem>> -> memref<8x8x128xf32, #tpu.memory_space<vmem>>
    %dma_wait3A_68 = arith.constant 0 : i32
    %dma_wait3A_69 = arith.constant 0 : i32
    %dma_wait3A_70 = arith.constant 0 : i32
    %dma_wait3A_71 = tpu.memref_slice %arg4[%dma_wait3A_63, %dma_wait3A_68, %add3A, %dma_wait3A_69, %dma_wait3A_70] : memref<200x8x32x8x128xf32, #tpu.memory_space<hbm>> -> memref<1x8x1x8x128xf32, #tpu.memory_space<hbm>>
    %dma_wait3A_72 = tpu.memref_squeeze %dma_wait3A_71 : memref<1x8x1x8x128xf32, #tpu.memory_space<hbm>> -> memref<8x8x128xf32, #tpu.memory_space<hbm>>
    %dma_wait3A_73 = arith.constant 0 : i32
    %dma_wait3A_74 = arith.constant 0 : i32
    %dma_wait3A_75 = arith.constant 0 : i32
    %dma_wait3A_76 = tpu.memref_slice %arg4[%dma_wait3A_63, %dma_wait3A_73, %add3A, %dma_wait3A_74, %dma_wait3A_75] : memref<200x8x32x8x128xf32, #tpu.memory_space<hbm>> -> memref<1x8x1x8x128xf32, #tpu.memory_space<hbm>>
    %dma_wait3A_77 = tpu.memref_squeeze %dma_wait3A_76 : memref<1x8x1x8x128xf32, #tpu.memory_space<hbm>> -> memref<8x8x128xf32, #tpu.memory_space<hbm>>
    %dma_wait3A_78 = arith.constant 0 : i32
    %dma_wait3A_79 = arith.constant 0 : i32
    %dma_wait3A_80 = arith.constant 0 : i32
    %dma_wait3A_81 = tpu.memref_slice %arg12[%dma_wait3A_78, %dma_wait3A_79, %dma_wait3A_80] : memref<8x8x129xf32, #tpu.memory_space<vmem>> -> memref<8x8x128xf32, #tpu.memory_space<vmem>>
    tpu.wait_dma2 semaphore(%arg20 : memref<!tpu.dma_semaphore, #tpu.memory_space<semaphore_mem>>) src(%dma_wait3A_81 : memref<8x8x128xf32, #tpu.memory_space<vmem>>) dst(%dma_wait3A_77 : memref<8x8x128xf32, #tpu.memory_space<hbm>>)
    %dma_wait3A_82 = arith.constant 199 : i32
    %dma_wait3A_83 = arith.constant 0 : i32
    %dma_wait3A_84 = arith.constant 0 : i32
    %dma_wait3A_85 = arith.constant 0 : i32
    %dma_wait3A_86 = tpu.memref_slice %arg13[%dma_wait3A_83, %dma_wait3A_84, %dma_wait3A_85] : memref<8x8x129xf32, #tpu.memory_space<vmem>> -> memref<8x8x128xf32, #tpu.memory_space<vmem>>
    %dma_wait3A_87 = arith.constant 0 : i32
    %dma_wait3A_88 = arith.constant 0 : i32
    %dma_wait3A_89 = arith.constant 0 : i32
    %dma_wait3A_90 = tpu.memref_slice %arg4[%dma_wait3A_82, %dma_wait3A_87, %add3A, %dma_wait3A_88, %dma_wait3A_89] : memref<200x8x32x8x128xf32, #tpu.memory_space<hbm>> -> memref<1x8x1x8x128xf32, #tpu.memory_space<hbm>>
    %dma_wait3A_91 = tpu.memref_squeeze %dma_wait3A_90 : memref<1x8x1x8x128xf32, #tpu.memory_space<hbm>> -> memref<8x8x128xf32, #tpu.memory_space<hbm>>
    %dma_wait3A_92 = arith.constant 0 : i32
    %dma_wait3A_93 = arith.constant 0 : i32
    %dma_wait3A_94 = arith.constant 0 : i32
    %dma_wait3A_95 = tpu.memref_slice %arg4[%dma_wait3A_82, %dma_wait3A_92, %add3A, %dma_wait3A_93, %dma_wait3A_94] : memref<200x8x32x8x128xf32, #tpu.memory_space<hbm>> -> memref<1x8x1x8x128xf32, #tpu.memory_space<hbm>>
    %dma_wait3A_96 = tpu.memref_squeeze %dma_wait3A_95 : memref<1x8x1x8x128xf32, #tpu.memory_space<hbm>> -> memref<8x8x128xf32, #tpu.memory_space<hbm>>
    %dma_wait3A_97 = arith.constant 0 : i32
    %dma_wait3A_98 = arith.constant 0 : i32
    %dma_wait3A_99 = arith.constant 0 : i32
    %dma_wait3A_100 = tpu.memref_slice %arg13[%dma_wait3A_97, %dma_wait3A_98, %dma_wait3A_99] : memref<8x8x129xf32, #tpu.memory_space<vmem>> -> memref<8x8x128xf32, #tpu.memory_space<vmem>>
    tpu.wait_dma2 semaphore(%arg21 : memref<!tpu.dma_semaphore, #tpu.memory_space<semaphore_mem>>) src(%dma_wait3A_100 : memref<8x8x128xf32, #tpu.memory_space<vmem>>) dst(%dma_wait3A_96 : memref<8x8x128xf32, #tpu.memory_space<hbm>>)
    return
  }
}

</mosaic_0001>

<sc_bundles>
// kernel: kernel.3.cloned.1.call-start
scs
__scs_entry_jumppad:
0x0: {  	(pc) =	sbr.rel $0x88, $3  }
0x1: {  	(tag) =	ssettag $0x0;
	lr =	simm.s32 $0x1  }
0x2: {  	[smem:$0x3F9F] =	sst lr;
	_ =	strace $0xD0000000  }
0x3: {  	_ = 	snop  }
0x4: {  	_ = 	snop  }
0x5: {  	_ = 	snop  }
0x6: {  	_ = 	snop  }
0x7: {  	_ = 	snop  }
__scs_overlays_trampoline_lowered:
0x8: {  	[smem:$0x3FAE] =	sst s0  }
0x9: {  	[smem:$0x3FAF] =	sst s1  }
0xa: {  	[smem:$0x3FB0] =	sst s2  }
0xb: {  	[smem:$0x3FB1] =	sst s3  }
0xc: {  	[smem:$0x3FB2] =	sst s4  }
0xd: {  	[smem:$0x3FB3] =	sst s5  }
0xe: {  	[smem:$0x3FB4] =	sst s6  }
0xf: {  	[smem:$0x3FB5] =	sst s7  }
0x10: {  	[smem:$0x3FB6] =	sst s8  }
0x11: {  	[smem:$0x3FB7] =	sst s9;
	s0 =	simm.s32 @!p0 $0x0  }
0x12: {  	s1 =	sld [smem:$0x3F9D];
	s0 =	simm.s32 @p0 $0x1  }
0x13: {  	[smem:$0x3FB8] =	sst s0;
	s0 =	simm.s32 @!p1 $0x0  }
0x14: {  	s2 =	sld [smem:$0x3F9C];
	s0 =	simm.s32 @p1 $0x1  }
0x15: {  	[smem:$0x3FB9] =	sst s0;
	s0 =	simm.s32 @!p2 $0x0  }
0x16: {  	s3 =	sld [smem:$0x3FDB];
	s0 =	simm.s32 @p2 $0x1  }
0x17: {  	s4 =	simm.s32 $0x1BF5;
	[smem:$0x3FBB] =	sst s0  }
0x18: {  	s0 =	sld [smem:$0x3F9E];
	_ =	swait.ge [sflag:s4], $0x0  }
0x19: {  	s7 =	sld [smem:$0x3F9F]  }
0x1a: {  	s8 =	sadd.s32 $0xFFFFE003, lr  }
0x1b: {  	s9 =	sadd.s32 $0xFFFFFEF7, lr;
	s5 =	simm.s32 $0xFFFFFFFF;
	p2 =	slt.u32 s8, $0xFFFFF086  }
0x1c: {  	p1 =	slt.u32 s9, $0xF7A;
	s5 =	simm.s32 @!p2 $0x0  }
0x1d: {  	s5 =	simm.s32 @p1 $0x1;
	p0 =	seq.s32 s7, s2  }
0x1e: {  	s7 =	smul.u32 @!p0 $0xF7A, s2;
	p2 =	seq.s32 @!p0 s5, $0x0  }
0x1f: {  	s9 =	smul.u32 $0xF7A, s1;
	s8 =	simm.s32 @!p0 $0x1BF5;
	p2 =	por !p2, p0  }
0x20: {  	[sflag:s8] =	ssyncset.s32 @!p0 $0xFFFFF086;
	s6 =	sadd.s32 @!p0 s3, s7;
	s7 =	simm.s32 @!p0 $0x108  }
0x21: {  	s3 =	sadd.s32 s3, s9;
	s6 =	sadd.s32 @!p0 $0x88, s6;
	s7 =	simm.s32 @p2 $0x1082  }
0x22: {  	[simem:s7], [sflag:s8] =	dma.local @!p0 [hbm:s6], $0xF7A  }
0x23: {  	s9 =	sor.u32 $0xD0000000, s2;
	s6 =	simm.s32 $0x108;
	_ =	swait.ge @!p0 [sflag:s8], $0x0  }
0x24: {  	s3 =	sadd.s32 $0x88, s3;
	s6 =	simm.s32 @!p1 $0x1082;
	[sflag:s4] =	ssyncset.s32 $0xFFFFF086  }
0x25: {  	[simem:s6], [sflag:s4] =	dma.local [hbm:s3], $0xF7A  }
0x26: {  	[smem:$0x3F9F] =	sst s1;
	(tag) =	ssettag s2;
	_ =	strace s9  }
0x27: {  	s1 =	sld [smem:$0x3FAF]  }
0x28: {  	s2 =	sld [smem:$0x3FB0]  }
0x29: {  	s4 =	sld [smem:$0x3FB2]  }
0x2a: {  	p0 =	seq.s32 s5, $0x0;
	s5 =	sld [smem:$0x3FB3]  }
0x2b: {  	s6 =	sld [smem:$0x3FB4]  }
0x2c: {  	s7 =	sld [smem:$0x3FB5]  }
0x2d: {  	s3 =	simm.s32 $0x108;
	s8 =	sld [smem:$0x3FB6]  }
0x2e: {  	s3 =	simm.s32 @!p0 $0x1082;
	s9 =	sld [smem:$0x3FB7]  }
0x2f: {  	lr =	sadd.s32 s0, s3;
	s0 =	sld [smem:$0x3FAE]  }
0x30: {  	s3 =	sld [smem:$0x3FB1]  }
0x31: {  	[smem:$0x3FBA] =	sst s10  }
0x32: {  	s10 =	sld [smem:$0x3FB8];
	_ =	sdelay $0x3  }
0x33: {  	p0 =	seq.s32 s10, $0x1;
	s10 =	sld [smem:$0x3FBA];
	_ =	sdelay $0x3  }
0x34: {  	[smem:$0x3FBA] =	sst s10  }
0x35: {  	s10 =	sld [smem:$0x3FB9];
	_ =	sdelay $0x3  }
0x36: {  	p1 =	seq.s32 s10, $0x1;
	s10 =	sld [smem:$0x3FBA];
	_ =	sdelay $0x3  }
0x37: {  	[smem:$0x3FBA] =	sst s10  }
0x38: {  	s10 =	sld [smem:$0x3FBB]  }
0x39: {  	_ = 	snop;
	(pc) =	sbr.ind lr, $3  }
0x3a: {  	_ = 	snop  }
0x3b: {  	_ = 	snop  }
0x3c: {  	p2 =	seq.s32 s10, $0x1;
	s10 =	sld [smem:$0x3FBA]  }
0x3d: {  	_ =	shalt  }
0x3e: {  	_ =	shalt  }
0x3f: {  	_ =	shalt  }
0x40: {  	_ =	shalt  }
0x41: {  	_ =	shalt  }
0x42: {  	_ =	shalt  }
0x43: {  	_ =	shalt  }
0x44: {  	_ =	shalt  }
0x45: {  	_ =	shalt  }
0x46: {  	_ =	shalt  }
0x47: {  	_ =	shalt  }
0x48: {  	_ =	shalt  }
0x49: {  	_ =	shalt  }
0x4a: {  	_ =	shalt  }
0x4b: {  	_ =	shalt  }
0x4c: {  	_ =	shalt  }
0x4d: {  	_ =	shalt  }
0x4e: {  	_ =	shalt  }
0x4f: {  	_ =	shalt  }
0x50: {  	_ =	shalt  }
0x51: {  	_ =	shalt  }
0x52: {  	_ =	shalt  }
0x53: {  	_ =	shalt  }
0x54: {  	_ =	shalt  }
0x55: {  	_ =	shalt  }
0x56: {  	_ =	shalt  }
0x57: {  	_ =	shalt  }
0x58: {  	_ =	shalt  }
0x59: {  	_ =	shalt  }
0x5a: {  	_ =	shalt  }
0x5b: {  	_ =	shalt  }
0x5c: {  	_ =	shalt  }
0x5d: {  	_ =	shalt  }
0x5e: {  	_ =	shalt  }
0x5f: {  	_ =	shalt  }
0x60: {  	_ =	shalt  }
0x61: {  	_ =	shalt  }
0x62: {  	_ =	shalt  }
0x63: {  	_ =	shalt  }
0x64: {  	_ =	shalt  }
0x65: {  	_ =	shalt  }
0x66: {  	_ =	shalt  }
0x67: {  	_ =	shalt  }
0x68: {  	_ =	shalt  }
0x69: {  	_ =	shalt  }
0x6a: {  	_ =	shalt  }
0x6b: {  	_ =	shalt  }
0x6c: {  	_ =	shalt  }
0x6d: {  	_ =	shalt  }
0x6e: {  	_ =	shalt  }
0x6f: {  	_ =	shalt  }
0x70: {  	_ =	shalt  }
0x71: {  	_ =	shalt  }
0x72: {  	_ =	shalt  }
0x73: {  	_ =	shalt  }
0x74: {  	_ =	shalt  }
0x75: {  	_ =	shalt  }
0x76: {  	_ =	shalt  }
0x77: {  	_ =	shalt  }
0x78: {  	_ =	shalt  }
0x79: {  	_ =	shalt  }
0x7a: {  	_ =	shalt  }
0x7b: {  	_ =	shalt  }
0x7c: {  	_ =	shalt  }
0x7d: {  	_ =	shalt  }
0x7e: {  	_ =	shalt  }
0x7f: {  	_ =	shalt  }
0x80: {  	_ =	shalt  }
0x81: {  	_ =	shalt  }
0x82: {  	_ =	shalt  }
0x83: {  	_ =	shalt  }
0x84: {  	_ =	shalt  }
0x85: {  	_ =	shalt  }
0x86: {  	_ =	shalt  }
0x87: {  	_ =	shalt  }
.Lfunc_end0:
.L_simem_size_0:
called_computation_lowered:
.L_overlay_start_0:
0x88: {  	s2 =	sld [smem:$0x3FD9]  }
0x89: {  	s3 =	sld [smem:$0x3FFE];
	_ =	sdelay $0x1  }
0x8a: {  	s1 =	srdreg.scid  }
0x8b: {  	s0 =	sand.u32 $0x1, s1  }
0x8c: {  	s17 =	sshll.u32 s0, $0xA;
	s2 =	sadd.s32 s3, s2  }
0x8d: {  	s2 =	sadd.s32 s2, s17  }
0x8e: {  	[smem:$0x3FC6] =	sst s2  }
0x8f: {  	_ = 	snop  }
0x90: {  	s2 =	sld [smem:$0x3FD0];
	(tm) =	ssettm $0x1  }
0x91: {  	s18 =	sld [smem:$0x3FFB];
	_ =	sdelay $0x3  }
0x92: {  	_ =	strace s18  }
0x93: {  	s3 =	sld [smem:$0x3FFC];
	_ =	sdelay $0x3  }
0x94: {  	_ =	strace s3  }
0x95: {  	s3 =	sld [smem:$0x3FFD];
	_ =	sdelay $0x3  }
0x96: {  	_ =	strace s3  }
0x97: {  	_ =	strace $0x8FFFFFFF  }
0x98: {  	s19 =	sld [smem:$0x3FDB];
	_ =	sdelay $0x1  }
0x99: {  	s4 =	simm.s32 $_scs_section_size  }
0x9a: {  	s5 =	simm.s32 $_size__tile_overlayer_lowered;
	s6 =	simm.s32 $_tile_overlayer_lowered  }
0x9b: {  	s22 =	simm.s32 $0x1BFF;
	s21 =	sshll.u32 s6, $0x1;
	s3 =	sadd.s32 s4, s19  }
0x9c: {  	s7 =	simm.s32 $0x0;
	s20 =	sshll.u32 s5, $0x1;
	s5 =	sadd.s32 s21, s3  }
0x9d: {  	[timem:s7], [sflag:s22] =	dma.local [hbm:s5], s20  }
0x9e: {  	_ =	swait.ge [sflag:s22], s20  }
0x9f: {  	s4 =	ssub.s32 $0x0, s20;
	[sflag:s22] =	ssyncset.done $0x0  }
0xa0: {  	[sflag:s22] =	ssyncadd.s32 s4;
	_ =	sdelay $0x1  }
0xa1: {  	s23 =	simm.s32 $0x1B8B  }
0xa2: {  	_ =	swait.ge [sflag:s23], $0x1  }
0xa3: {  	[sflag:s23] =	ssyncset.done $0x0  }
0xa4: {  	s25 =	simm.s32 $0x1B8E;
	s24 =	sld [smem:$0x3FFE];
	[sflag:s23] =	ssyncadd.s32 $0xFFFFFFFF  }
0xa5: {  	s26 =	simm.s32 $execute0_lowered;
	[smem:$0x3FD2] =	sst s25  }
0xa6: {  	s5 =	sshll.u32 s26, $0x1;
	_ =	strace $0x80000046;
	[dreg:$0x1] =	wrdreg $0xFFFFFFFF  }
0xa7: {  	s28 =	simm.s32 $_size_execute0_lowered;
	s3 =	sadd.s32 s3, s5;
	[dreg:$0x0] =	wrdreg $0x0  }
0xa8: {  	s5 =	sshll.u32 s28, $0x1;
	[dreg:$0x2] =	wrdreg s3  }
0xa9: {  	[dreg:$0x3] =	wrdreg s5  }
0xaa: {  	[dreg:$0x4] =	wrdreg $0xC0  }
0xab: {  	_ =	task [dreg:s7], $0x5FFFF  }
0xac: {  	[dreg:$0x1] =	wrdreg $0xFFFFFFFF  }
0xad: {  	[dreg:$0x0] =	wrdreg $0x60  }
0xae: {  	[dreg:$0x2] =	wrdreg s24  }
0xaf: {  	[dreg:$0x3] =	wrdreg s2  }
0xb0: {  	[dreg:$0x4] =	wrdreg $0x9  }
0xb1: {  	_ =	task.clear_ibuf [dreg:s7], $0x5FFFF;
	_ =	strace $0x90000046  }
0xb2: {  	s29 =	simm.s32 $0x9;
	_ =	strace $0x80000048  }
0xb3: {  	_ =	swait.ge [sflag:s29], $0x1  }
0xb4: {  	[sflag:s29] =	ssyncadd.s32 $0xFFFFFFFF  }
0xb5: {  	_ =	strace $0x90000048  }
0xb6: {  	_ =	sfence  }
0xb7: {  	s30 =	sld [smem:$0x0];
	_ =	sdelay $0x2  }
0xb8: {  	s31 =	sshll.u32 s1, $0xD;
	s1 =	sshrl.u32 s1, $0x2  }
0xb9: {  	s3 =	sand.u32 $0x4000, s31;
	s1 =	sadd.s32 s1, s30  }
0xba: {  	s0 =	sor.u32 s3, s0;
	s1 =	sshll.u32 s1, $0x11  }
0xbb: {  	s0 =	sor.u32 s1, s0  }
0xbc: {  	s0 =	sadd.s32 $0x8F2B, s0  }
0xbd: {  	[sflag:s0] =	ssyncadd.remote.s32 $0x1  }
0xbe: {  	_ =	sfence.sel $0xFFFF  }
0xbf: {  	[dreg:$0x0] =	wrdreg $0xFFFFFFFF;
	(pc) =	sbr.abs _section_cstart, $3  }
0xc0: {  	[dreg:$0x1] =	wrdreg $0xFFFFFFFF  }
0xc1: {  	_ =	task.clear_ibuf [dreg:s7], $0x2FFFF;
	_ =	strace $0x9FFFFFFF  }
0xc2: {  	(tm) =	ssettm $0x7FFFFFFF  }
0xc3: {  	_ =	shalt  }
tec
execute0_lowered:
.L_overlay_start_1:
0x0: {  	(tag) =	ssettag $0x1  }
0x1: {  	s0 =	rddreg [dreg:$0x0]  }
0x2: {  	s2 =	rddreg [dreg:$0x1]  }
0x3: {  	s1 =	srdreg.scid;
	s4 =	stileid.u32;
	s3 =	simm.s32 $0x0  }
0x4: {  	s10 =	simm.s32 $0x80;
	s16 =	simm.s32 $0xA400;
	s17 =	simm.s32 $0xC400  }
0x5: {  	s18 =	simm.s32 $0x1;
	s19 =	simm.s32 $0xE400;
	s20 =	simm.s32 $0x2  }
0x6: {  	s21 =	simm.s32 $0x6;
	s22 =	simm.s32 $0x10600;
	s23 =	simm.s32 $0x3  }
0x7: {  	s24 =	simm.s32 $0x7;
	s25 =	simm.s32 $0x12800;
	s26 =	simm.s32 $0x4  }
0x8: {  	s28 =	simm.s32 $0x8;
	s1 =	sand.u32 $0x1, s1;
	s4 =	sshll.u32 s4, $0x1  }
0x9: {  	s29 =	simm.s32 $0x14A00;
	[smem:$0x7FF] =	sst s3;
	s5 =	sor.u32 s1, s4  }
0xa: {  	s7 =	sadd.s32 $0x8000, s2;
	s1 =	ssub.s32 $0x2, s1;
	s4 =	sshll.u32 s5, $0x4  }
0xb: {  	v0 =	vlaneseq.u32;
	s8 =	sadd.s32 $0x10000, s2;
	s30 =	sshrl.u32 s1, $0x1;
	s6 =	sadd.s32 s4, s0  }
0xc: {  	v0 =	vmul.u32 $0x88, v0;
	s4 =	sadd.s32 $0xF42A00, s0;
	s0 =	ssub.s32 s1, s30;
	s31 =	sadd.s32 $0x600, s6  }
0xd: {  	_ =	strace $0x80000047;
	s0 =	smax.u32 s0, $0x1;
	[dreg:$0x3] =	wrdreg s31  }
0xe: {  	v1 =	vadd.s32 $0x880, v0;
	v2 =	vadd.s32 $0x1100, v0;
	v3 =	vadd.s32 $0x1980, v0;
	s1 =	simm.s32 $0x0;
	s6 =	sshll.u32 s5, $0xA;
	[dreg:$0x4] =	wrdreg s0  }
.LBB2_1:
0xf: {  	[dreg:$0x5] =	wrdreg s1  }
0x10: {  	s0 =	rddreg [dreg:$0x3];
	s13 =	simm.s32 $0x1000;
	s14 =	simm.s32 $0x9  }
0x11: {  	[tilespmem:s3], [sflag:$0x9] =	stream.strided.gather [hbm4b:s0+s10], $0x6400, s13, s10, $0x38;
	[tilespmem:$0x16C00] =	vst v63  }
0x12: {  	_ =	swait.ge [sflag:s14], $0x6400  }
0x13: {  	[sflag:s14] =	ssyncset.done $0x0  }
0x14: {  	s15 =	simm.s32 $0x6400;
	[sflag:s14] =	ssyncadd.s32 $0xFFFF9C00  }
0x15: {  	[tilespmem:s15], [sflag:$0x1] =	stream.indirect.gather [hbm4b:s4+s10], $0x40, s3, s10, $0xb8;
	[tilespmem:$0x16C00] =	vst v63  }
0x16: {  	s30 =	simm.s32 $0x8400  }
0x17: {  	[tilespmem:s30], [sflag:$0x2] =	stream.indirect.gather [hbm4b:s4+s10], $0x40, s10, s10, $0xb8;
	[tilespmem:$0x16C00] =	vst v63  }
0x18: {  	s31 =	simm.s32 $0x100;
	s0 =	simm.s32 $0x0  }
0x19: {  	[tilespmem:s16], [sflag:$0x3] =	stream.indirect.gather [hbm4b:s4+s10], $0x40, s31, s10, $0xb8;
	[tilespmem:$0x16C00] =	vst v63  }
.LBB2_2:
0x1a: {  	s1 =	sshllo.u32 s0, $0x2  }
0x1b: {  	s5 =	sshll.u32 s1, $0x7  }
0x1c: {  	s5 =	sand.u32 $0x3FFFFF80, s5  }
0x1d: {  	[tilespmem:s17], [sflag:$0x4] =	stream.indirect.gather [hbm4b:s4+s10], $0x40, s5, s10, $0xb8;
	[tilespmem:$0x16C00] =	vst v63  }
0x1e: {  	_ =	swait.ge [sflag:s18], $0x2000  }
0x1f: {  	p0 =	seq.s32 s0, $0x0;
	[sflag:s18] =	ssyncset.done $0x0  }
0x20: {  	s5 =	simm.s32 @!p0 $0x5;
	[sflag:s18] =	ssyncadd.s32 $0xFFFFE000  }
0x21: {  	_ =	swait.ge @!p0 [sflag:s5], $0x2000  }
0x22: {  	[sflag:s5] =	ssyncset.done @!p0 $0x0  }
0x23: {  	s9 =	simm.s32 $0x6440;
	s12 =	simm.s32 $0x1;
	[sflag:s5] =	ssyncadd.s32 @!p0 $0xFFFFE000  }
0x24: {  	v4 =	vmov s12;
	v5 =	vld [tilespmem:s9+$0x0]  }
0x25: {  	v9 =	vand.u32 $0x7F, v4  }
0x26: {  	v4 =	vadd.s32 v0, v9  }
0x27: {  	s13 =	simm.s32 $0x0  }
0x28: {  	v6 =	vmov s13;
	v7 =	vld [tilespmem:s9+$0xFFFFFFC0]  }
0x29: {  	v14 =	vand.u32 $0x7E, v6;
	v5 =	vmul.f32 $8.000000000e+00, v5  }
0x2a: {  	s14 =	simm.s32 $0x3;
	s11 =	simm.s32 $0x64C0;
	v6 =	vadd.s32 v0, v14  }
0x2b: {  	v8 =	vld [tilespmem:s11+$0x0];
	[tilespmem:v4+s19+$0x0] =	vst.idx.msk $0xffff, v5;
	v4 =	vmov s14  }
0x2c: {  	v4 =	vand.u32 $0x7F, v4;
	v10 =	vld [tilespmem:s9+$0x10]  }
0x2d: {  	v5 =	vmul.f32 $8.000000000e+00, v7;
	v7 =	vadd.s32 v0, v4  }
0x2e: {  	s15 =	simm.s32 $0x2;
	v11 =	vadd.s32 v1, v9  }
0x2f: {  	v12 =	vld [tilespmem:s11+$0xFFFFFFC0];
	[tilespmem:v6+s19+$0x0] =	vst.idx.msk $0xffff, v5;
	v5 =	vmov s15  }
0x30: {  	v6 =	vmul.f32 $8.000000000e+00, v8;
	v5 =	vand.u32 $0x7E, v5;
	v8 =	vld [tilespmem:s9+$0xFFFFFFD0]  }
0x31: {  	s12 =	simm.s32 $0x5;
	s15 =	simm.s32 $0x6540;
	v13 =	vadd.s32 v0, v5;
	v10 =	vmul.f32 $8.000000000e+00, v10  }
0x32: {  	v15 =	vld [tilespmem:s15+$0x0];
	[tilespmem:v7+s19+$0x0] =	vst.idx.msk $0xffff, v6;
	v7 =	vadd.s32 v1, v14;
	v6 =	vmov s12  }
0x33: {  	[tilespmem:v11+s19+$0x0] =	vst.idx.msk $0xffff, v10;
	v6 =	vand.u32 $0x7F, v6;
	v10 =	vld [tilespmem:s11+$0x10]  }
0x34: {  	v11 =	vmul.f32 $8.000000000e+00, v12;
	v12 =	vadd.s32 v0, v6;
	v16 =	vld [tilespmem:s9+$0x20]  }
0x35: {  	s13 =	simm.s32 $0x4;
	v17 =	vadd.s32 v1, v4;
	v8 =	vmul.f32 $8.000000000e+00, v8  }
0x36: {  	v18 =	vadd.s32 v2, v9;
	[tilespmem:v13+s19+$0x0] =	vst.idx.msk $0xffff, v11;
	v11 =	vmov s13;
	v13 =	vld [tilespmem:s15+$0xFFFFFFC0]  }
0x37: {  	[tilespmem:v7+s19+$0x0] =	vst.idx.msk $0xffff, v8;
	v7 =	vand.u32 $0x7E, v11;
	v8 =	vmul.f32 $8.000000000e+00, v15;
	v11 =	vld [tilespmem:s11+$0xFFFFFFD0]  }
0x38: {  	s5 =	simm.s32 $0x65C0;
	s12 =	simm.s32 $0x7;
	v15 =	vadd.s32 v0, v7;
	v10 =	vmul.f32 $8.000000000e+00, v10;
	v19 =	vld [tilespmem:s9+$0xFFFFFFE0]  }
0x39: {  	v20 =	vld [tilespmem:s5+$0x0];
	[tilespmem:v12+s19+$0x0] =	vst.idx.msk $0xffff, v8;
	v12 =	vadd.s32 v1, v5;
	v16 =	vmul.f32 $8.000000000e+00, v16;
	v8 =	vmov s12  }
0x3a: {  	[tilespmem:v17+s19+$0x0] =	vst.idx.msk $0xffff, v10;
	v10 =	vadd.s32 v2, v14;
	v8 =	vand.u32 $0x7F, v8;
	v17 =	vld [tilespmem:s15+$0x10]  }
0x3b: {  	v13 =	vmul.f32 $8.000000000e+00, v13;
	[tilespmem:v18+s19+$0x0] =	vst.idx.msk $0xffff, v16;
	v16 =	vadd.s32 v0, v8;
	v18 =	vld [tilespmem:s11+$0x20]  }
0x3c: {  	s14 =	simm.s32 $0x6;
	v21 =	vadd.s32 v1, v6;
	v11 =	vmul.f32 $8.000000000e+00, v11;
	v22 =	vld [tilespmem:s9+$0x30]  }
0x3d: {  	v23 =	vadd.s32 v2, v4;
	[tilespmem:v15+s19+$0x0] =	vst.idx.msk $0xffff, v13;
	v13 =	vmul.f32 $8.000000000e+00, v19;
	v15 =	vld [tilespmem:s5+$0xFFFFFFC0];
	v19 =	vmov s14  }
0x3e: {  	v25 =	vadd.s32 v3, v9;
	[tilespmem:v12+s19+$0x0] =	vst.idx.msk $0xffff, v11;
	v12 =	vmul.f32 $8.000000000e+00, v20;
	v24 =	vld [tilespmem:s15+$0xFFFFFFD0];
	v9 =	vand.u32 $0x7E, v19  }
0x3f: {  	[tilespmem:v10+s19+$0x0] =	vst.idx.msk $0xffff, v13;
	v10 =	vmul.f32 $8.000000000e+00, v17;
	v11 =	vld [tilespmem:s11+$0xFFFFFFE0];
	v17 =	vadd.s32 v0, v9  }
0x40: {  	s13 =	simm.s32 $0x9;
	s12 =	simm.s32 $0x6640;
	[tilespmem:v16+s19+$0x0] =	vst.idx.msk $0xffff, v12;
	v20 =	vmul.f32 $8.000000000e+00, v18;
	v12 =	vld [tilespmem:s9+$0xFFFFFFF0];
	v16 =	vadd.s32 v1, v7  }
0x41: {  	v19 =	vld [tilespmem:s12+$0x0];
	v13 =	vadd.s32 v2, v5;
	v18 =	vmov s13;
	[tilespmem:v21+s19+$0x0] =	vst.idx.msk $0xffff, v10;
	v26 =	vmul.f32 $8.000000000e+00, v22  }
0x42: {  	v14 =	vadd.s32 v3, v14;
	v10 =	vand.u32 $0x7F, v18;
	v18 =	vld [tilespmem:s5+$0x10];
	v22 =	vmul.f32 $8.000000000e+00, v15;
	[tilespmem:v23+s19+$0x0] =	vst.idx.msk $0xffff, v20  }
0x43: {  	s31 =	simm.s32 $0x8;
	s30 =	simm.s32 $0xA;
	s9 =	simm.s32 $0x6640;
	v20 =	vadd.s32 v0, v10;
	v15 =	vld [tilespmem:s15+$0x20];
	v21 =	vmul.f32 $8.000000000e+00, v24;
	[tilespmem:v25+s19+$0x0] =	vst.idx.msk $0xffff, v26  }
.LBB2_3:
0x44: {  	p1 =	slt.u32 s30, $0x7E;
	[tilespmem:v17+s19+$0x0] =	vst.idx.msk $0xffff, v22;
	v22 =	vadd.s32 v1, v8;
	v11 =	vmul.f32 $8.000000000e+00, v11;
	v23 =	vld [tilespmem:s11+$0x30]  }
0x45: {  	v17 =	vmov s31;
	s31 =	smov.u32 s30;
	v24 =	vld [tilespmem:s12+$0xFFFFFFC0];
	[tilespmem:v16+s19+$0x0] =	vst.idx.msk $0xffff, v21;
	v21 =	vadd.s32 v2, v6;
	v12 =	vmul.f32 $8.000000000e+00, v12  }
0x46: {  	v27 =	vadd.s32 v3, v4;
	v4 =	vmovc v6;
	v25 =	vand.u32 $0x7E, v17;
	v16 =	vmul.f32 $8.000000000e+00, v19;
	v26 =	vld [tilespmem:s5+$0xFFFFFFD0];
	[tilespmem:v13+s19+$0x0] =	vst.idx.msk $0xffff, v11  }
.Ltmp0:
0x47: {  	v6 =	vmovc v8;
	v8 =	vmov v10;
	v17 =	vadd.s32 v0, v25;
	v13 =	vmul.f32 $8.000000000e+00, v18;
	v11 =	vld [tilespmem:s15+$0xFFFFFFE0];
	[tilespmem:v14+s19+$0x0] =	vst.idx.msk $0xffff, v12;
	(pc) =	sbr.rel @p1 .LBB2_3-.Ltmp0, $4  }
0x48: {  	s13 =	sadd.s32 $0x1, s30;
	s12 =	sadd.s32 $0x80, s12;
	[tilespmem:v20+s19+$0x0] =	vst.idx.msk $0xffff, v16;
	v16 =	vadd.s32 v1, v9;
	v14 =	vmul.f32 $8.000000000e+00, v15;
	v12 =	vld [tilespmem:s11+$0xFFFFFFF0];
	s11 =	smov.u32 s15  }
0x49: {  	v10 =	vmov s13;
	s15 =	smov.u32 s5;
	s5 =	smov.u32 s9;
	s9 =	smov.u32 s12;
	v19 =	vld [tilespmem:s12+$0x0];
	[tilespmem:v22+s19+$0x0] =	vst.idx.msk $0xffff, v13;
	v13 =	vadd.s32 v2, v7;
	v23 =	vmul.f32 $8.000000000e+00, v23  }
0x4a: {  	v10 =	vand.u32 $0x7F, v10;
	v22 =	vmul.f32 $8.000000000e+00, v24;
	v18 =	vld [tilespmem:s5+$0x10];
	[tilespmem:v21+s19+$0x0] =	vst.idx.msk $0xffff, v14;
	v14 =	vadd.s32 v3, v5;
	v5 =	vmovc v7  }
0x4b: {  	s30 =	sadd.s32 $0x2, s30;
	v20 =	vadd.s32 v0, v10;
	v7 =	vmovc v9;
	v9 =	vmov v25;
	v21 =	vmul.f32 $8.000000000e+00, v26;
	v15 =	vld [tilespmem:s15+$0x20];
	[tilespmem:v27+s19+$0x0] =	vst.idx.msk $0xffff, v23  }
0x4c: {  	v23 =	vmov s31;
	v24 =	vld [tilespmem:s12+$0xFFFFFFC0]  }
0x4d: {  	v23 =	vand.u32 $0x7E, v23  }
0x4e: {  	v25 =	vadd.s32 v0, v23;
	_ =	sdelay $0x1  }
0x4f: {  	v19 =	vmul.f32 $8.000000000e+00, v19  }
0x50: {  	[tilespmem:v17+s19+$0x0] =	vst.idx.msk $0xffff, v22;
	v62 =	vmul.f32 $8.000000000e+00, v24  }
0x51: {  	v22 =	vld [tilespmem:s5+$0xFFFFFFD0];
	[tilespmem:v20+s19+$0x0] =	vst.idx.msk $0xffff, v19  }
0x52: {  	v63 =	vadd.s32 v1, v8;
	v20 =	vld [tilespmem:s9+$0x10];
	[tilespmem:v25+s19+$0x0] =	vst.idx.msk $0xffff, v62  }
0x53: {  	v28 =	vadd.s32 v1, v9;
	v29 =	vld [tilespmem:s9+$0xFFFFFFD0]  }
0x54: {  	v30 =	vadd.s32 v1, v10  }
0x55: {  	v26 =	vadd.s32 v1, v23;
	v18 =	vmul.f32 $8.000000000e+00, v18  }
0x56: {  	[tilespmem:v16+s19+$0x0] =	vst.idx.msk $0xffff, v21;
	v31 =	vmul.f32 $8.000000000e+00, v22  }
0x57: {  	v32 =	vld [tilespmem:s15+$0xFFFFFFE0];
	[tilespmem:v63+s19+$0x0] =	vst.idx.msk $0xffff, v18;
	v33 =	vmul.f32 $8.000000000e+00, v20  }
0x58: {  	v34 =	vadd.s32 v2, v6;
	v35 =	vld [tilespmem:s5+$0x20];
	[tilespmem:v28+s19+$0x0] =	vst.idx.msk $0xffff, v31;
	v36 =	vmul.f32 $8.000000000e+00, v29  }
0x59: {  	v11 =	vmul.f32 $8.000000000e+00, v11;
	v37 =	vadd.s32 v2, v7;
	v38 =	vld [tilespmem:s5+$0xFFFFFFE0];
	[tilespmem:v30+s19+$0x0] =	vst.idx.msk $0xffff, v33  }
0x5a: {  	v39 =	vadd.s32 v2, v8;
	v12 =	vmul.f32 $8.000000000e+00, v12;
	v40 =	vld [tilespmem:s9+$0x20];
	[tilespmem:v26+s19+$0x0] =	vst.idx.msk $0xffff, v36  }
0x5b: {  	v42 =	vadd.s32 v2, v9;
	[tilespmem:v13+s19+$0x0] =	vst.idx.msk $0xffff, v11;
	v41 =	vmul.f32 $8.000000000e+00, v15;
	v43 =	vld [tilespmem:s9+$0xFFFFFFE0]  }
0x5c: {  	v44 =	vld [tilespmem:s11+$0x30];
	v46 =	vadd.s32 v2, v10;
	[tilespmem:v14+s19+$0x0] =	vst.idx.msk $0xffff, v12;
	v45 =	vmul.f32 $8.000000000e+00, v32  }
0x5d: {  	v49 =	vadd.s32 v2, v23;
	v47 =	vld [tilespmem:s11+$0xFFFFFFF0];
	[tilespmem:v34+s19+$0x0] =	vst.idx.msk $0xffff, v41;
	v48 =	vmul.f32 $8.000000000e+00, v35  }
0x5e: {  	v4 =	vadd.s32 v3, v4;
	[tilespmem:v37+s19+$0x0] =	vst.idx.msk $0xffff, v45;
	v20 =	vld [tilespmem:s15+$0x30];
	v50 =	vmul.f32 $8.000000000e+00, v38  }
0x5f: {  	v5 =	vadd.s32 v3, v5;
	v51 =	vld [tilespmem:s15+$0xFFFFFFF0];
	[tilespmem:v39+s19+$0x0] =	vst.idx.msk $0xffff, v48;
	v52 =	vmul.f32 $8.000000000e+00, v40  }
0x60: {  	v53 =	vadd.s32 v3, v6;
	v54 =	vld [tilespmem:s5+$0x30];
	[tilespmem:v42+s19+$0x0] =	vst.idx.msk $0xffff, v50;
	v55 =	vmul.f32 $8.000000000e+00, v43  }
0x61: {  	v57 =	vadd.s32 v3, v7;
	v56 =	vmul.f32 $8.000000000e+00, v44;
	v58 =	vld [tilespmem:s5+$0xFFFFFFF0];
	[tilespmem:v46+s19+$0x0] =	vst.idx.msk $0xffff, v52  }
0x62: {  	v60 =	vadd.s32 v3, v8;
	v59 =	vmul.f32 $8.000000000e+00, v47;
	v14 =	vld [tilespmem:s9+$0x30];
	[tilespmem:v49+s19+$0x0] =	vst.idx.msk $0xffff, v55  }
0x63: {  	v61 =	vadd.s32 v3, v9;
	[tilespmem:v4+s19+$0x0] =	vst.idx.msk $0xffff, v56;
	v4 =	vmul.f32 $8.000000000e+00, v20;
	v12 =	vld [tilespmem:s9+$0xFFFFFFF0]  }
0x64: {  	v62 =	vadd.s32 v3, v10;
	[tilespmem:v5+s19+$0x0] =	vst.idx.msk $0xffff, v59;
	v5 =	vmul.f32 $8.000000000e+00, v51  }
0x65: {  	v63 =	vadd.s32 v3, v23;
	[tilespmem:v53+s19+$0x0] =	vst.idx.msk $0xffff, v4;
	v4 =	vmul.f32 $8.000000000e+00, v54  }
0x66: {  	[tilespmem:v57+s19+$0x0] =	vst.idx.msk $0xffff, v5;
	v5 =	vmul.f32 $8.000000000e+00, v58  }
0x67: {  	s30 =	sshll.u32 s0, $0x14;
	[tilespmem:v60+s19+$0x0] =	vst.idx.msk $0xffff, v4;
	v4 =	vmul.f32 $8.000000000e+00, v14  }
0x68: {  	s5 =	sor.u32 s6, s30;
	[tilespmem:v61+s19+$0x0] =	vst.idx.msk $0xffff, v5;
	v5 =	vmul.f32 $8.000000000e+00, v12  }
0x69: {  	s11 =	sshrl.u32 s5, $0x3;
	[tilespmem:v62+s19+$0x0] =	vst.idx.msk $0xffff, v4  }
0x6a: {  	s31 =	simm.s32 $0xE400;
	s9 =	sadd.s32 s2, s11;
	[tilespmem:v63+s19+$0x0] =	vst.idx.msk $0xffff, v5  }
0x6b: {  	[hbm4b:s9+s3] =	stream.linear.scatter [tilespmem:s31], [sflag:$0x5], $0x80, $0x38;
	[tilespmem:$0x16C00] =	vst v63  }
0x6c: {  	s12 =	simm.s32 $0xE488;
	s13 =	sadd.s32 $0x10, s9  }
0x6d: {  	[hbm4b:s13+s3] =	stream.linear.scatter [tilespmem:s12], [sflag:$0x5], $0x80, $0x38;
	[tilespmem:$0x16C00] =	vst v63  }
0x6e: {  	s14 =	simm.s32 $0xE510;
	s30 =	simm.s32 $0xE598;
	s15 =	sadd.s32 $0x20, s9  }
0x6f: {  	[hbm4b:s15+s3] =	stream.linear.scatter [tilespmem:s14], [sflag:$0x5], $0x80, $0x38;
	[tilespmem:$0x16C00] =	vst v63  }
0x70: {  	s5 =	simm.s32 $0x440;
	s31 =	sadd.s32 $0x30, s9;
	s12 =	simm.s32 $0xE620  }
0x71: {  	[hbm4b:s31+s3] =	stream.linear.scatter [tilespmem:s30], [sflag:$0x5], $0x80, $0x38;
	[tilespmem:$0x16C00] =	vst v63  }
0x72: {  	s13 =	sadd.s32 $0x40, s9;
	s14 =	simm.s32 $0xE6A8;
	s15 =	sadd.s32 $0x50, s9  }
0x73: {  	[hbm4b:s13+s3] =	stream.linear.scatter [tilespmem:s12], [sflag:$0x5], $0x80, $0x38;
	[tilespmem:$0x16C00] =	vst v63  }
0x74: {  	s30 =	simm.s32 $0xE730;
	s31 =	sadd.s32 $0x60, s9;
	s12 =	simm.s32 $0x2200  }
0x75: {  	[hbm4b:s15+s3] =	stream.linear.scatter [tilespmem:s14], [sflag:$0x5], $0x80, $0x38;
	[tilespmem:$0x16C00] =	vst v63  }
0x76: {  	s13 =	simm.s32 $0xE7B8;
	s15 =	sadd.s32 $0x70, s9;
	s9 =	sadd.s32 $0x1000, s9  }
0x77: {  	[hbm4b:s31+s3] =	stream.linear.scatter [tilespmem:s30], [sflag:$0x5], $0x80, $0x38;
	[tilespmem:$0x16C00] =	vst v63  }
.LBB2_5:
0x78: {  	[hbm4b:s15+s3] =	stream.linear.scatter [tilespmem:s13], [sflag:$0x5], $0x80, $0x38;
	[tilespmem:$0x16C00] =	vst v63  }
0x79: {  	s13 =	smov.u32 s5;
	s5 =	smov.u32 s12  }
0x7a: {  	s30 =	sadd.s32 $0x1100, s12;
	s5 =	sshra.s32 s5, $0x2;
	s15 =	sadd.s32 $0xE400, s13  }
0x7b: {  	[hbm4b:s9+s3] =	stream.linear.scatter [tilespmem:s15], [sflag:$0x5], $0x80, $0x38;
	[tilespmem:$0x16C00] =	vst v63  }
0x7c: {  	p1 =	sne.s32 s12, $0x7700;
	s12 =	sadd.s32 $0xE488, s13;
	s15 =	sadd.s32 $0x10, s9  }
0x7d: {  	[hbm4b:s15+s3] =	stream.linear.scatter [tilespmem:s12], [sflag:$0x5], $0x80, $0x38;
	[tilespmem:$0x16C00] =	vst v63  }
0x7e: {  	s12 =	sadd.s32 $0xE510, s13;
	s15 =	sadd.s32 $0x20, s9  }
0x7f: {  	[hbm4b:s15+s3] =	stream.linear.scatter [tilespmem:s12], [sflag:$0x5], $0x80, $0x38;
	[tilespmem:$0x16C00] =	vst v63  }
0x80: {  	s12 =	sadd.s32 $0xE598, s13;
	s15 =	sadd.s32 $0x30, s9  }
0x81: {  	[hbm4b:s15+s3] =	stream.linear.scatter [tilespmem:s12], [sflag:$0x5], $0x80, $0x38;
	[tilespmem:$0x16C00] =	vst v63  }
0x82: {  	s12 =	sadd.s32 $0xE620, s13;
	s15 =	sadd.s32 $0x40, s9  }
0x83: {  	[hbm4b:s15+s3] =	stream.linear.scatter [tilespmem:s12], [sflag:$0x5], $0x80, $0x38;
	[tilespmem:$0x16C00] =	vst v63  }
.Ltmp1:
0x84: {  	s12 =	sadd.s32 $0xE6A8, s13;
	s15 =	sadd.s32 $0x50, s9;
	(pc) =	sbr.rel @p1 .LBB2_5-.Ltmp1, $4  }
0x85: {  	[hbm4b:s15+s3] =	stream.linear.scatter [tilespmem:s12], [sflag:$0x5], $0x80, $0x38;
	[tilespmem:$0x16C00] =	vst v63  }
0x86: {  	s12 =	sadd.s32 $0xE730, s13;
	s15 =	sadd.s32 $0x60, s9;
	s13 =	sadd.s32 $0xE7B8, s13  }
0x87: {  	[hbm4b:s15+s3] =	stream.linear.scatter [tilespmem:s12], [sflag:$0x5], $0x80, $0x38;
	[tilespmem:$0x16C00] =	vst v63  }
0x88: {  	s15 =	sadd.s32 $0x70, s9;
	s9 =	sadd.s32 $0x1000, s9;
	s12 =	smov.u32 s30  }
0x89: {  	[hbm4b:s15+s3] =	stream.linear.scatter [tilespmem:s13], [sflag:$0x5], $0x80, $0x38;
	[tilespmem:$0x16C00] =	vst v63  }
0x8a: {  	s12 =	sadd.s32 $0xE400, s5  }
0x8b: {  	[hbm4b:s9+s3] =	stream.linear.scatter [tilespmem:s12], [sflag:$0x5], $0x80, $0x38;
	[tilespmem:$0x16C00] =	vst v63  }
0x8c: {  	s30 =	sadd.s32 $0xE488, s5;
	s31 =	sadd.s32 $0x10, s9  }
0x8d: {  	[hbm4b:s31+s3] =	stream.linear.scatter [tilespmem:s30], [sflag:$0x5], $0x80, $0x38;
	[tilespmem:$0x16C00] =	vst v63  }
0x8e: {  	s14 =	sadd.s32 $0xE510, s5;
	s15 =	sadd.s32 $0x20, s9  }
0x8f: {  	[hbm4b:s15+s3] =	stream.linear.scatter [tilespmem:s14], [sflag:$0x5], $0x80, $0x38;
	[tilespmem:$0x16C00] =	vst v63  }
0x90: {  	s30 =	sadd.s32 $0xE598, s5;
	s31 =	sadd.s32 $0x30, s9  }
0x91: {  	[hbm4b:s31+s3] =	stream.linear.scatter [tilespmem:s30], [sflag:$0x5], $0x80, $0x38;
	[tilespmem:$0x16C00] =	vst v63  }
0x92: {  	s14 =	sadd.s32 $0xE620, s5;
	s15 =	sadd.s32 $0x40, s9  }
0x93: {  	[hbm4b:s15+s3] =	stream.linear.scatter [tilespmem:s14], [sflag:$0x5], $0x80, $0x38;
	[tilespmem:$0x16C00] =	vst v63  }
0x94: {  	p1 =	sne.s32 s0, $0x31;
	s30 =	sadd.s32 $0xE6A8, s5;
	s31 =	sadd.s32 $0x50, s9  }
0x95: {  	[hbm4b:s31+s3] =	stream.linear.scatter [tilespmem:s30], [sflag:$0x5], $0x80, $0x38;
	[tilespmem:$0x16C00] =	vst v63  }
.Ltmp2:
0x96: {  	_ = 	snop;
	(pc) =	sbr.rel @p1 .LBB2_8-.Ltmp2, $4  }
0x97: {  	s14 =	sadd.s32 $0xE730, s5;
	s15 =	sadd.s32 $0x60, s9  }
0x98: {  	[hbm4b:s15+s3] =	stream.linear.scatter [tilespmem:s14], [sflag:$0x5], $0x80, $0x38;
	[tilespmem:$0x16C00] =	vst v63  }
0x99: {  	s30 =	sadd.s32 $0xE7B8, s5;
	s31 =	sadd.s32 $0x70, s9  }
0x9a: {  	[hbm4b:s31+s3] =	stream.linear.scatter [tilespmem:s30], [sflag:$0x5], $0x80, $0x38;
	[tilespmem:$0x16C00] =	vst v63  }
.Ltmp3:
0x9b: {  	(pc) =	sbr.rel .LBB2_9-.Ltmp3, $4  }
0x9c: {  	_ = 	snop  }
0x9d: {  	_ =	swait.ge [sflag:s20], $0x2000  }
0x9e: {  	[sflag:s20] =	ssyncset.done $0x0  }
0x9f: {  	[sflag:s20] =	ssyncadd.s32 $0xFFFFE000  }
.LBB2_8:
0xa0: {  	s5 =	sshll.u32 s0, $0x9  }
0xa1: {  	s5 =	sand.u32 $0x3FFFFE00, s5  }
.Ltmp4:
0xa2: {  	s9 =	simm.s32 $0x6400;
	s5 =	sadd.s32 $0x200, s5;
	(pc) =	sbr.rel @p0 .LBB2_10-.Ltmp4, $4  }
0xa3: {  	[tilespmem:s9], [sflag:$0x1] =	stream.indirect.gather [hbm4b:s4+s10], $0x40, s5, s10, $0xb8;
	[tilespmem:$0x16C00] =	vst v63  }
0xa4: {  	_ =	swait.ge [sflag:s20], $0x2000  }
0xa5: {  	[sflag:s20] =	ssyncset.done $0x0  }
0xa6: {  	[sflag:s20] =	ssyncadd.s32 $0xFFFFE000  }
.LBB2_9:
0xa7: {  	_ =	swait.ge [sflag:s21], $0x2000  }
0xa8: {  	[sflag:s21] =	ssyncset.done $0x0  }
0xa9: {  	[sflag:s21] =	ssyncadd.s32 $0xFFFFE000  }
.LBB2_10:
0xaa: {  	s12 =	simm.s32 $0x8440;
	s5 =	simm.s32 $0x1  }
0xab: {  	v4 =	vmov s5;
	v5 =	vld [tilespmem:s12+$0x0]  }
0xac: {  	v9 =	vand.u32 $0x7F, v4  }
0xad: {  	v4 =	vadd.s32 v0, v9  }
0xae: {  	s13 =	simm.s32 $0x0  }
0xaf: {  	v6 =	vmov s13;
	v7 =	vld [tilespmem:s12+$0xFFFFFFC0]  }
0xb0: {  	v14 =	vand.u32 $0x7E, v6;
	v5 =	vmul.f32 $8.000000000e+00, v5  }
0xb1: {  	s14 =	simm.s32 $0x3;
	s15 =	simm.s32 $0x84C0;
	v6 =	vadd.s32 v0, v14  }
0xb2: {  	v8 =	vld [tilespmem:s15+$0x0];
	[tilespmem:v4+s22+$0x0] =	vst.idx.msk $0xffff, v5;
	v4 =	vmov s14  }
0xb3: {  	v4 =	vand.u32 $0x7F, v4;
	v10 =	vld [tilespmem:s12+$0x10]  }
0xb4: {  	v5 =	vmul.f32 $8.000000000e+00, v7;
	v7 =	vadd.s32 v0, v4  }
0xb5: {  	s9 =	simm.s32 $0x2;
	v11 =	vadd.s32 v1, v9  }
0xb6: {  	v12 =	vld [tilespmem:s15+$0xFFFFFFC0];
	[tilespmem:v6+s22+$0x0] =	vst.idx.msk $0xffff, v5;
	v5 =	vmov s9  }
0xb7: {  	v6 =	vmul.f32 $8.000000000e+00, v8;
	v5 =	vand.u32 $0x7E, v5;
	v8 =	vld [tilespmem:s12+$0xFFFFFFD0]  }
0xb8: {  	s5 =	simm.s32 $0x8540;
	s9 =	simm.s32 $0x5;
	v13 =	vadd.s32 v0, v5;
	v10 =	vmul.f32 $8.000000000e+00, v10  }
0xb9: {  	v15 =	vld [tilespmem:s5+$0x0];
	[tilespmem:v7+s22+$0x0] =	vst.idx.msk $0xffff, v6;
	v7 =	vadd.s32 v1, v14;
	v6 =	vmov s9  }
0xba: {  	[tilespmem:v11+s22+$0x0] =	vst.idx.msk $0xffff, v10;
	v6 =	vand.u32 $0x7F, v6;
	v10 =	vld [tilespmem:s15+$0x10]  }
0xbb: {  	v11 =	vmul.f32 $8.000000000e+00, v12;
	v12 =	vadd.s32 v0, v6;
	v16 =	vld [tilespmem:s12+$0x20]  }
0xbc: {  	s13 =	simm.s32 $0x4;
	v17 =	vadd.s32 v1, v4;
	v8 =	vmul.f32 $8.000000000e+00, v8  }
0xbd: {  	v18 =	vadd.s32 v2, v9;
	[tilespmem:v13+s22+$0x0] =	vst.idx.msk $0xffff, v11;
	v11 =	vmov s13;
	v13 =	vld [tilespmem:s5+$0xFFFFFFC0]  }
0xbe: {  	[tilespmem:v7+s22+$0x0] =	vst.idx.msk $0xffff, v8;
	v7 =	vand.u32 $0x7E, v11;
	v8 =	vmul.f32 $8.000000000e+00, v15;
	v11 =	vld [tilespmem:s15+$0xFFFFFFD0]  }
0xbf: {  	s9 =	simm.s32 $0x85C0;
	s13 =	simm.s32 $0x7;
	v15 =	vadd.s32 v0, v7;
	v10 =	vmul.f32 $8.000000000e+00, v10;
	v19 =	vld [tilespmem:s12+$0xFFFFFFE0]  }
0xc0: {  	v20 =	vld [tilespmem:s9+$0x0];
	[tilespmem:v12+s22+$0x0] =	vst.idx.msk $0xffff, v8;
	v12 =	vadd.s32 v1, v5;
	v16 =	vmul.f32 $8.000000000e+00, v16;
	v8 =	vmov s13  }
0xc1: {  	[tilespmem:v17+s22+$0x0] =	vst.idx.msk $0xffff, v10;
	v10 =	vadd.s32 v2, v14;
	v8 =	vand.u32 $0x7F, v8;
	v17 =	vld [tilespmem:s5+$0x10]  }
0xc2: {  	v13 =	vmul.f32 $8.000000000e+00, v13;
	[tilespmem:v18+s22+$0x0] =	vst.idx.msk $0xffff, v16;
	v16 =	vadd.s32 v0, v8;
	v18 =	vld [tilespmem:s15+$0x20]  }
0xc3: {  	s14 =	simm.s32 $0x6;
	v21 =	vadd.s32 v1, v6;
	v11 =	vmul.f32 $8.000000000e+00, v11;
	v22 =	vld [tilespmem:s12+$0x30]  }
0xc4: {  	v23 =	vadd.s32 v2, v4;
	[tilespmem:v15+s22+$0x0] =	vst.idx.msk $0xffff, v13;
	v13 =	vmul.f32 $8.000000000e+00, v19;
	v15 =	vld [tilespmem:s9+$0xFFFFFFC0];
	v19 =	vmov s14  }
0xc5: {  	v25 =	vadd.s32 v3, v9;
	[tilespmem:v12+s22+$0x0] =	vst.idx.msk $0xffff, v11;
	v12 =	vmul.f32 $8.000000000e+00, v20;
	v24 =	vld [tilespmem:s5+$0xFFFFFFD0];
	v9 =	vand.u32 $0x7E, v19  }
0xc6: {  	[tilespmem:v10+s22+$0x0] =	vst.idx.msk $0xffff, v13;
	v10 =	vmul.f32 $8.000000000e+00, v17;
	v11 =	vld [tilespmem:s15+$0xFFFFFFE0];
	v17 =	vadd.s32 v0, v9  }
0xc7: {  	s30 =	simm.s32 $0x8640;
	s14 =	simm.s32 $0x9;
	[tilespmem:v16+s22+$0x0] =	vst.idx.msk $0xffff, v12;
	v20 =	vmul.f32 $8.000000000e+00, v18;
	v12 =	vld [tilespmem:s12+$0xFFFFFFF0];
	v16 =	vadd.s32 v1, v7  }
0xc8: {  	v19 =	vld [tilespmem:s30+$0x0];
	v13 =	vadd.s32 v2, v5;
	v18 =	vmov s14;
	[tilespmem:v21+s22+$0x0] =	vst.idx.msk $0xffff, v10;
	v26 =	vmul.f32 $8.000000000e+00, v22  }
0xc9: {  	v14 =	vadd.s32 v3, v14;
	v10 =	vand.u32 $0x7F, v18;
	v18 =	vld [tilespmem:s9+$0x10];
	v22 =	vmul.f32 $8.000000000e+00, v15;
	[tilespmem:v23+s22+$0x0] =	vst.idx.msk $0xffff, v20  }
0xca: {  	s31 =	simm.s32 $0xA;
	s13 =	simm.s32 $0x8;
	s12 =	simm.s32 $0x8640;
	v20 =	vadd.s32 v0, v10;
	v15 =	vld [tilespmem:s5+$0x20];
	v21 =	vmul.f32 $8.000000000e+00, v24;
	[tilespmem:v25+s22+$0x0] =	vst.idx.msk $0xffff, v26  }
.LBB2_11:
0xcb: {  	p2 =	slt.u32 s31, $0x7E;
	[tilespmem:v17+s22+$0x0] =	vst.idx.msk $0xffff, v22;
	v22 =	vadd.s32 v1, v8;
	v11 =	vmul.f32 $8.000000000e+00, v11;
	v23 =	vld [tilespmem:s15+$0x30]  }
0xcc: {  	v17 =	vmov s13;
	s13 =	smov.u32 s31;
	v24 =	vld [tilespmem:s30+$0xFFFFFFC0];
	[tilespmem:v16+s22+$0x0] =	vst.idx.msk $0xffff, v21;
	v21 =	vadd.s32 v2, v6;
	v12 =	vmul.f32 $8.000000000e+00, v12  }
0xcd: {  	v27 =	vadd.s32 v3, v4;
	v4 =	vmovc v6;
	v25 =	vand.u32 $0x7E, v17;
	v16 =	vmul.f32 $8.000000000e+00, v19;
	v26 =	vld [tilespmem:s9+$0xFFFFFFD0];
	[tilespmem:v13+s22+$0x0] =	vst.idx.msk $0xffff, v11  }
.Ltmp5:
0xce: {  	v6 =	vmovc v8;
	v8 =	vmov v10;
	v17 =	vadd.s32 v0, v25;
	v13 =	vmul.f32 $8.000000000e+00, v18;
	v11 =	vld [tilespmem:s5+$0xFFFFFFE0];
	[tilespmem:v14+s22+$0x0] =	vst.idx.msk $0xffff, v12;
	(pc) =	sbr.rel @p2 .LBB2_11-.Ltmp5, $4  }
0xcf: {  	s14 =	sadd.s32 $0x1, s31;
	s30 =	sadd.s32 $0x80, s30;
	[tilespmem:v20+s22+$0x0] =	vst.idx.msk $0xffff, v16;
	v16 =	vadd.s32 v1, v9;
	v14 =	vmul.f32 $8.000000000e+00, v15;
	v12 =	vld [tilespmem:s15+$0xFFFFFFF0];
	s15 =	smov.u32 s5  }
0xd0: {  	v10 =	vmov s14;
	s5 =	smov.u32 s9;
	s9 =	smov.u32 s12;
	s12 =	smov.u32 s30;
	v19 =	vld [tilespmem:s30+$0x0];
	[tilespmem:v22+s22+$0x0] =	vst.idx.msk $0xffff, v13;
	v13 =	vadd.s32 v2, v7;
	v23 =	vmul.f32 $8.000000000e+00, v23  }
0xd1: {  	v10 =	vand.u32 $0x7F, v10;
	v22 =	vmul.f32 $8.000000000e+00, v24;
	v18 =	vld [tilespmem:s9+$0x10];
	[tilespmem:v21+s22+$0x0] =	vst.idx.msk $0xffff, v14;
	v14 =	vadd.s32 v3, v5;
	v5 =	vmovc v7  }
0xd2: {  	s31 =	sadd.s32 $0x2, s31;
	v20 =	vadd.s32 v0, v10;
	v7 =	vmovc v9;
	v9 =	vmov v25;
	v21 =	vmul.f32 $8.000000000e+00, v26;
	v15 =	vld [tilespmem:s5+$0x20];
	[tilespmem:v27+s22+$0x0] =	vst.idx.msk $0xffff, v23  }
0xd3: {  	v23 =	vmov s13;
	v24 =	vld [tilespmem:s30+$0xFFFFFFC0]  }
0xd4: {  	v23 =	vand.u32 $0x7E, v23  }
0xd5: {  	v25 =	vadd.s32 v0, v23;
	_ =	sdelay $0x1  }
0xd6: {  	v19 =	vmul.f32 $8.000000000e+00, v19  }
0xd7: {  	[tilespmem:v17+s22+$0x0] =	vst.idx.msk $0xffff, v22;
	v62 =	vmul.f32 $8.000000000e+00, v24  }
0xd8: {  	v22 =	vld [tilespmem:s9+$0xFFFFFFD0];
	[tilespmem:v20+s22+$0x0] =	vst.idx.msk $0xffff, v19  }
0xd9: {  	v63 =	vadd.s32 v1, v8;
	v20 =	vld [tilespmem:s12+$0x10];
	[tilespmem:v25+s22+$0x0] =	vst.idx.msk $0xffff, v62  }
0xda: {  	v28 =	vadd.s32 v1, v9;
	v29 =	vld [tilespmem:s12+$0xFFFFFFD0]  }
0xdb: {  	v30 =	vadd.s32 v1, v10  }
0xdc: {  	v26 =	vadd.s32 v1, v23;
	v18 =	vmul.f32 $8.000000000e+00, v18  }
0xdd: {  	[tilespmem:v16+s22+$0x0] =	vst.idx.msk $0xffff, v21;
	v31 =	vmul.f32 $8.000000000e+00, v22  }
0xde: {  	v32 =	vld [tilespmem:s5+$0xFFFFFFE0];
	[tilespmem:v63+s22+$0x0] =	vst.idx.msk $0xffff, v18;
	v33 =	vmul.f32 $8.000000000e+00, v20  }
0xdf: {  	v34 =	vadd.s32 v2, v6;
	v35 =	vld [tilespmem:s9+$0x20];
	[tilespmem:v28+s22+$0x0] =	vst.idx.msk $0xffff, v31;
	v36 =	vmul.f32 $8.000000000e+00, v29  }
0xe0: {  	v11 =	vmul.f32 $8.000000000e+00, v11;
	v37 =	vadd.s32 v2, v7;
	v38 =	vld [tilespmem:s9+$0xFFFFFFE0];
	[tilespmem:v30+s22+$0x0] =	vst.idx.msk $0xffff, v33  }
0xe1: {  	v39 =	vadd.s32 v2, v8;
	v12 =	vmul.f32 $8.000000000e+00, v12;
	v40 =	vld [tilespmem:s12+$0x20];
	[tilespmem:v26+s22+$0x0] =	vst.idx.msk $0xffff, v36  }
0xe2: {  	v42 =	vadd.s32 v2, v9;
	[tilespmem:v13+s22+$0x0] =	vst.idx.msk $0xffff, v11;
	v41 =	vmul.f32 $8.000000000e+00, v15;
	v43 =	vld [tilespmem:s12+$0xFFFFFFE0]  }
0xe3: {  	v44 =	vld [tilespmem:s15+$0x30];
	v46 =	vadd.s32 v2, v10;
	[tilespmem:v14+s22+$0x0] =	vst.idx.msk $0xffff, v12;
	v45 =	vmul.f32 $8.000000000e+00, v32  }
0xe4: {  	v49 =	vadd.s32 v2, v23;
	v47 =	vld [tilespmem:s15+$0xFFFFFFF0];
	[tilespmem:v34+s22+$0x0] =	vst.idx.msk $0xffff, v41;
	v48 =	vmul.f32 $8.000000000e+00, v35  }
0xe5: {  	v4 =	vadd.s32 v3, v4;
	[tilespmem:v37+s22+$0x0] =	vst.idx.msk $0xffff, v45;
	v20 =	vld [tilespmem:s5+$0x30];
	v50 =	vmul.f32 $8.000000000e+00, v38  }
0xe6: {  	v5 =	vadd.s32 v3, v5;
	v51 =	vld [tilespmem:s5+$0xFFFFFFF0];
	[tilespmem:v39+s22+$0x0] =	vst.idx.msk $0xffff, v48;
	v52 =	vmul.f32 $8.000000000e+00, v40  }
0xe7: {  	v53 =	vadd.s32 v3, v6;
	v54 =	vld [tilespmem:s9+$0x30];
	[tilespmem:v42+s22+$0x0] =	vst.idx.msk $0xffff, v50;
	v55 =	vmul.f32 $8.000000000e+00, v43  }
0xe8: {  	v57 =	vadd.s32 v3, v7;
	v56 =	vmul.f32 $8.000000000e+00, v44;
	v58 =	vld [tilespmem:s9+$0xFFFFFFF0];
	[tilespmem:v46+s22+$0x0] =	vst.idx.msk $0xffff, v52  }
0xe9: {  	v60 =	vadd.s32 v3, v8;
	v59 =	vmul.f32 $8.000000000e+00, v47;
	v14 =	vld [tilespmem:s12+$0x30];
	[tilespmem:v49+s22+$0x0] =	vst.idx.msk $0xffff, v55  }
0xea: {  	v61 =	vadd.s32 v3, v9;
	[tilespmem:v4+s22+$0x0] =	vst.idx.msk $0xffff, v56;
	v4 =	vmul.f32 $8.000000000e+00, v20;
	v12 =	vld [tilespmem:s12+$0xFFFFFFF0]  }
0xeb: {  	v62 =	vadd.s32 v3, v10;
	[tilespmem:v5+s22+$0x0] =	vst.idx.msk $0xffff, v59;
	v5 =	vmul.f32 $8.000000000e+00, v51  }
0xec: {  	v63 =	vadd.s32 v3, v23;
	[tilespmem:v53+s22+$0x0] =	vst.idx.msk $0xffff, v4;
	v4 =	vmul.f32 $8.000000000e+00, v54  }
0xed: {  	[tilespmem:v57+s22+$0x0] =	vst.idx.msk $0xffff, v5;
	v5 =	vmul.f32 $8.000000000e+00, v58  }
0xee: {  	[tilespmem:v60+s22+$0x0] =	vst.idx.msk $0xffff, v4;
	v4 =	vmul.f32 $8.000000000e+00, v14  }
0xef: {  	[tilespmem:v61+s22+$0x0] =	vst.idx.msk $0xffff, v5;
	v5 =	vmul.f32 $8.000000000e+00, v12  }
0xf0: {  	[tilespmem:v62+s22+$0x0] =	vst.idx.msk $0xffff, v4  }
0xf1: {  	s31 =	simm.s32 $0x10600;
	s9 =	sadd.s32 s11, s7;
	[tilespmem:v63+s22+$0x0] =	vst.idx.msk $0xffff, v5  }
0xf2: {  	[hbm4b:s9+s3] =	stream.linear.scatter [tilespmem:s31], [sflag:$0x6], $0x80, $0x38;
	[tilespmem:$0x16C00] =	vst v63  }
0xf3: {  	s13 =	sadd.s32 $0x10, s9;
	s12 =	simm.s32 $0x10688  }
0xf4: {  	[hbm4b:s13+s3] =	stream.linear.scatter [tilespmem:s12], [sflag:$0x6], $0x80, $0x38;
	[tilespmem:$0x16C00] =	vst v63  }
0xf5: {  	s14 =	simm.s32 $0x10710;
	s30 =	simm.s32 $0x10798;
	s15 =	sadd.s32 $0x20, s9  }
0xf6: {  	[hbm4b:s15+s3] =	stream.linear.scatter [tilespmem:s14], [sflag:$0x6], $0x80, $0x38;
	[tilespmem:$0x16C00] =	vst v63  }
0xf7: {  	s5 =	simm.s32 $0x440;
	s31 =	sadd.s32 $0x30, s9;
	s12 =	simm.s32 $0x10820  }
0xf8: {  	[hbm4b:s31+s3] =	stream.linear.scatter [tilespmem:s30], [sflag:$0x6], $0x80, $0x38;
	[tilespmem:$0x16C00] =	vst v63  }
0xf9: {  	s13 =	sadd.s32 $0x40, s9;
	s14 =	simm.s32 $0x108A8;
	s15 =	sadd.s32 $0x50, s9  }
0xfa: {  	[hbm4b:s13+s3] =	stream.linear.scatter [tilespmem:s12], [sflag:$0x6], $0x80, $0x38;
	[tilespmem:$0x16C00] =	vst v63  }
0xfb: {  	s30 =	simm.s32 $0x10930;
	s31 =	sadd.s32 $0x60, s9;
	s12 =	simm.s32 $0x2200  }
0xfc: {  	[hbm4b:s15+s3] =	stream.linear.scatter [tilespmem:s14], [sflag:$0x6], $0x80, $0x38;
	[tilespmem:$0x16C00] =	vst v63  }
0xfd: {  	s13 =	simm.s32 $0x109B8;
	s15 =	sadd.s32 $0x70, s9;
	s9 =	sadd.s32 $0x1000, s9  }
0xfe: {  	[hbm4b:s31+s3] =	stream.linear.scatter [tilespmem:s30], [sflag:$0x6], $0x80, $0x38;
	[tilespmem:$0x16C00] =	vst v63  }
.LBB2_13:
0xff: {  	[hbm4b:s15+s3] =	stream.linear.scatter [tilespmem:s13], [sflag:$0x6], $0x80, $0x38;
	[tilespmem:$0x16C00] =	vst v63  }
0x100: {  	s13 =	smov.u32 s5;
	s5 =	smov.u32 s12  }
0x101: {  	s14 =	sadd.s32 $0x1100, s12;
	s5 =	sshra.s32 s5, $0x2;
	s15 =	sadd.s32 $0x10600, s13  }
0x102: {  	[hbm4b:s9+s3] =	stream.linear.scatter [tilespmem:s15], [sflag:$0x6], $0x80, $0x38;
	[tilespmem:$0x16C00] =	vst v63  }
0x103: {  	p2 =	sne.s32 s12, $0x7700;
	s12 =	sadd.s32 $0x10688, s13;
	s15 =	sadd.s32 $0x10, s9  }
0x104: {  	[hbm4b:s15+s3] =	stream.linear.scatter [tilespmem:s12], [sflag:$0x6], $0x80, $0x38;
	[tilespmem:$0x16C00] =	vst v63  }
0x105: {  	s12 =	sadd.s32 $0x10710, s13;
	s15 =	sadd.s32 $0x20, s9  }
0x106: {  	[hbm4b:s15+s3] =	stream.linear.scatter [tilespmem:s12], [sflag:$0x6], $0x80, $0x38;
	[tilespmem:$0x16C00] =	vst v63  }
0x107: {  	s12 =	sadd.s32 $0x10798, s13;
	s15 =	sadd.s32 $0x30, s9  }
0x108: {  	[hbm4b:s15+s3] =	stream.linear.scatter [tilespmem:s12], [sflag:$0x6], $0x80, $0x38;
	[tilespmem:$0x16C00] =	vst v63  }
0x109: {  	s12 =	sadd.s32 $0x10820, s13;
	s15 =	sadd.s32 $0x40, s9  }
0x10a: {  	[hbm4b:s15+s3] =	stream.linear.scatter [tilespmem:s12], [sflag:$0x6], $0x80, $0x38;
	[tilespmem:$0x16C00] =	vst v63  }
.Ltmp6:
0x10b: {  	s12 =	sadd.s32 $0x108A8, s13;
	s15 =	sadd.s32 $0x50, s9;
	(pc) =	sbr.rel @p2 .LBB2_13-.Ltmp6, $4  }
0x10c: {  	[hbm4b:s15+s3] =	stream.linear.scatter [tilespmem:s12], [sflag:$0x6], $0x80, $0x38;
	[tilespmem:$0x16C00] =	vst v63  }
0x10d: {  	s12 =	sadd.s32 $0x10930, s13;
	s15 =	sadd.s32 $0x60, s9;
	s13 =	sadd.s32 $0x109B8, s13  }
0x10e: {  	[hbm4b:s15+s3] =	stream.linear.scatter [tilespmem:s12], [sflag:$0x6], $0x80, $0x38;
	[tilespmem:$0x16C00] =	vst v63  }
0x10f: {  	s15 =	sadd.s32 $0x70, s9;
	s9 =	sadd.s32 $0x1000, s9;
	s12 =	smov.u32 s14  }
0x110: {  	[hbm4b:s15+s3] =	stream.linear.scatter [tilespmem:s13], [sflag:$0x6], $0x80, $0x38;
	[tilespmem:$0x16C00] =	vst v63  }
0x111: {  	s12 =	sadd.s32 $0x10600, s5  }
0x112: {  	[hbm4b:s9+s3] =	stream.linear.scatter [tilespmem:s12], [sflag:$0x6], $0x80, $0x38;
	[tilespmem:$0x16C00] =	vst v63  }
0x113: {  	s30 =	sadd.s32 $0x10688, s5;
	s31 =	sadd.s32 $0x10, s9  }
0x114: {  	[hbm4b:s31+s3] =	stream.linear.scatter [tilespmem:s30], [sflag:$0x6], $0x80, $0x38;
	[tilespmem:$0x16C00] =	vst v63  }
0x115: {  	s14 =	sadd.s32 $0x10710, s5;
	s15 =	sadd.s32 $0x20, s9  }
0x116: {  	[hbm4b:s15+s3] =	stream.linear.scatter [tilespmem:s14], [sflag:$0x6], $0x80, $0x38;
	[tilespmem:$0x16C00] =	vst v63  }
0x117: {  	s30 =	sadd.s32 $0x10798, s5;
	s31 =	sadd.s32 $0x30, s9  }
0x118: {  	[hbm4b:s31+s3] =	stream.linear.scatter [tilespmem:s30], [sflag:$0x6], $0x80, $0x38;
	[tilespmem:$0x16C00] =	vst v63  }
0x119: {  	s14 =	sadd.s32 $0x10820, s5;
	s15 =	sadd.s32 $0x40, s9  }
0x11a: {  	[hbm4b:s15+s3] =	stream.linear.scatter [tilespmem:s14], [sflag:$0x6], $0x80, $0x38;
	[tilespmem:$0x16C00] =	vst v63  }
0x11b: {  	s30 =	sadd.s32 $0x108A8, s5;
	s31 =	sadd.s32 $0x50, s9  }
0x11c: {  	[hbm4b:s31+s3] =	stream.linear.scatter [tilespmem:s30], [sflag:$0x6], $0x80, $0x38;
	[tilespmem:$0x16C00] =	vst v63  }
.Ltmp7:
0x11d: {  	_ = 	snop;
	(pc) =	sbr.rel @p1 .LBB2_16-.Ltmp7, $4  }
0x11e: {  	s14 =	sadd.s32 $0x10930, s5;
	s15 =	sadd.s32 $0x60, s9  }
0x11f: {  	[hbm4b:s15+s3] =	stream.linear.scatter [tilespmem:s14], [sflag:$0x6], $0x80, $0x38;
	[tilespmem:$0x16C00] =	vst v63  }
0x120: {  	s30 =	sadd.s32 $0x109B8, s5;
	s31 =	sadd.s32 $0x70, s9  }
0x121: {  	[hbm4b:s31+s3] =	stream.linear.scatter [tilespmem:s30], [sflag:$0x6], $0x80, $0x38;
	[tilespmem:$0x16C00] =	vst v63  }
.Ltmp8:
0x122: {  	(pc) =	sbr.rel .LBB2_17-.Ltmp8, $4  }
0x123: {  	_ = 	snop  }
0x124: {  	_ =	swait.ge [sflag:s23], $0x2000  }
0x125: {  	[sflag:s23] =	ssyncset.done $0x0  }
0x126: {  	[sflag:s23] =	ssyncadd.s32 $0xFFFFE000  }
.LBB2_16:
0x127: {  	s5 =	sshll.u32 s0, $0x9  }
0x128: {  	s5 =	sand.u32 $0x3FFFFE00, s5  }
.Ltmp9:
0x129: {  	s9 =	simm.s32 $0x8400;
	s5 =	sadd.s32 $0x280, s5;
	(pc) =	sbr.rel @p0 .LBB2_18-.Ltmp9, $4  }
0x12a: {  	[tilespmem:s9], [sflag:$0x2] =	stream.indirect.gather [hbm4b:s4+s10], $0x40, s5, s10, $0xb8;
	[tilespmem:$0x16C00] =	vst v63  }
0x12b: {  	_ =	swait.ge [sflag:s23], $0x2000  }
0x12c: {  	[sflag:s23] =	ssyncset.done $0x0  }
0x12d: {  	[sflag:s23] =	ssyncadd.s32 $0xFFFFE000  }
.LBB2_17:
0x12e: {  	_ =	swait.ge [sflag:s24], $0x2000  }
0x12f: {  	[sflag:s24] =	ssyncset.done $0x0  }
0x130: {  	[sflag:s24] =	ssyncadd.s32 $0xFFFFE000  }
.LBB2_18:
0x131: {  	s12 =	simm.s32 $0xA440;
	s5 =	simm.s32 $0x1  }
0x132: {  	v4 =	vmov s5;
	v5 =	vld [tilespmem:s12+$0x0]  }
0x133: {  	v9 =	vand.u32 $0x7F, v4  }
0x134: {  	v4 =	vadd.s32 v0, v9  }
0x135: {  	s13 =	simm.s32 $0x0  }
0x136: {  	v6 =	vmov s13;
	v7 =	vld [tilespmem:s12+$0xFFFFFFC0]  }
0x137: {  	v14 =	vand.u32 $0x7E, v6;
	v5 =	vmul.f32 $8.000000000e+00, v5  }
0x138: {  	s14 =	simm.s32 $0x3;
	s15 =	simm.s32 $0xA4C0;
	v6 =	vadd.s32 v0, v14  }
0x139: {  	v8 =	vld [tilespmem:s15+$0x0];
	[tilespmem:v4+s25+$0x0] =	vst.idx.msk $0xffff, v5;
	v4 =	vmov s14  }
0x13a: {  	v4 =	vand.u32 $0x7F, v4;
	v10 =	vld [tilespmem:s12+$0x10]  }
0x13b: {  	v5 =	vmul.f32 $8.000000000e+00, v7;
	v7 =	vadd.s32 v0, v4  }
0x13c: {  	s9 =	simm.s32 $0x2;
	v11 =	vadd.s32 v1, v9  }
0x13d: {  	v12 =	vld [tilespmem:s15+$0xFFFFFFC0];
	[tilespmem:v6+s25+$0x0] =	vst.idx.msk $0xffff, v5;
	v5 =	vmov s9  }
0x13e: {  	v6 =	vmul.f32 $8.000000000e+00, v8;
	v5 =	vand.u32 $0x7E, v5;
	v8 =	vld [tilespmem:s12+$0xFFFFFFD0]  }
0x13f: {  	s5 =	simm.s32 $0xA540;
	s9 =	simm.s32 $0x5;
	v13 =	vadd.s32 v0, v5;
	v10 =	vmul.f32 $8.000000000e+00, v10  }
0x140: {  	v15 =	vld [tilespmem:s5+$0x0];
	[tilespmem:v7+s25+$0x0] =	vst.idx.msk $0xffff, v6;
	v7 =	vadd.s32 v1, v14;
	v6 =	vmov s9  }
0x141: {  	[tilespmem:v11+s25+$0x0] =	vst.idx.msk $0xffff, v10;
	v6 =	vand.u32 $0x7F, v6;
	v10 =	vld [tilespmem:s15+$0x10]  }
0x142: {  	v11 =	vmul.f32 $8.000000000e+00, v12;
	v12 =	vadd.s32 v0, v6;
	v16 =	vld [tilespmem:s12+$0x20]  }
0x143: {  	s13 =	simm.s32 $0x4;
	v17 =	vadd.s32 v1, v4;
	v8 =	vmul.f32 $8.000000000e+00, v8  }
0x144: {  	v18 =	vadd.s32 v2, v9;
	[tilespmem:v13+s25+$0x0] =	vst.idx.msk $0xffff, v11;
	v11 =	vmov s13;
	v13 =	vld [tilespmem:s5+$0xFFFFFFC0]  }
0x145: {  	[tilespmem:v7+s25+$0x0] =	vst.idx.msk $0xffff, v8;
	v7 =	vand.u32 $0x7E, v11;
	v8 =	vmul.f32 $8.000000000e+00, v15;
	v11 =	vld [tilespmem:s15+$0xFFFFFFD0]  }
0x146: {  	s9 =	simm.s32 $0xA5C0;
	s13 =	simm.s32 $0x7;
	v15 =	vadd.s32 v0, v7;
	v10 =	vmul.f32 $8.000000000e+00, v10;
	v19 =	vld [tilespmem:s12+$0xFFFFFFE0]  }
0x147: {  	v20 =	vld [tilespmem:s9+$0x0];
	[tilespmem:v12+s25+$0x0] =	vst.idx.msk $0xffff, v8;
	v12 =	vadd.s32 v1, v5;
	v16 =	vmul.f32 $8.000000000e+00, v16;
	v8 =	vmov s13  }
0x148: {  	[tilespmem:v17+s25+$0x0] =	vst.idx.msk $0xffff, v10;
	v10 =	vadd.s32 v2, v14;
	v8 =	vand.u32 $0x7F, v8;
	v17 =	vld [tilespmem:s5+$0x10]  }
0x149: {  	v13 =	vmul.f32 $8.000000000e+00, v13;
	[tilespmem:v18+s25+$0x0] =	vst.idx.msk $0xffff, v16;
	v16 =	vadd.s32 v0, v8;
	v18 =	vld [tilespmem:s15+$0x20]  }
0x14a: {  	s14 =	simm.s32 $0x6;
	v21 =	vadd.s32 v1, v6;
	v11 =	vmul.f32 $8.000000000e+00, v11;
	v22 =	vld [tilespmem:s12+$0x30]  }
0x14b: {  	v23 =	vadd.s32 v2, v4;
	[tilespmem:v15+s25+$0x0] =	vst.idx.msk $0xffff, v13;
	v13 =	vmul.f32 $8.000000000e+00, v19;
	v15 =	vld [tilespmem:s9+$0xFFFFFFC0];
	v19 =	vmov s14  }
0x14c: {  	v25 =	vadd.s32 v3, v9;
	[tilespmem:v12+s25+$0x0] =	vst.idx.msk $0xffff, v11;
	v12 =	vmul.f32 $8.000000000e+00, v20;
	v24 =	vld [tilespmem:s5+$0xFFFFFFD0];
	v9 =	vand.u32 $0x7E, v19  }
0x14d: {  	[tilespmem:v10+s25+$0x0] =	vst.idx.msk $0xffff, v13;
	v10 =	vmul.f32 $8.000000000e+00, v17;
	v11 =	vld [tilespmem:s15+$0xFFFFFFE0];
	v17 =	vadd.s32 v0, v9  }
0x14e: {  	s30 =	simm.s32 $0xA640;
	s14 =	simm.s32 $0x9;
	[tilespmem:v16+s25+$0x0] =	vst.idx.msk $0xffff, v12;
	v20 =	vmul.f32 $8.000000000e+00, v18;
	v12 =	vld [tilespmem:s12+$0xFFFFFFF0];
	v16 =	vadd.s32 v1, v7  }
0x14f: {  	v19 =	vld [tilespmem:s30+$0x0];
	v13 =	vadd.s32 v2, v5;
	v18 =	vmov s14;
	[tilespmem:v21+s25+$0x0] =	vst.idx.msk $0xffff, v10;
	v26 =	vmul.f32 $8.000000000e+00, v22  }
0x150: {  	v14 =	vadd.s32 v3, v14;
	v10 =	vand.u32 $0x7F, v18;
	v18 =	vld [tilespmem:s9+$0x10];
	v22 =	vmul.f32 $8.000000000e+00, v15;
	[tilespmem:v23+s25+$0x0] =	vst.idx.msk $0xffff, v20  }
0x151: {  	s31 =	simm.s32 $0xA;
	s13 =	simm.s32 $0x8;
	s12 =	simm.s32 $0xA640;
	v20 =	vadd.s32 v0, v10;
	v15 =	vld [tilespmem:s5+$0x20];
	v21 =	vmul.f32 $8.000000000e+00, v24;
	[tilespmem:v25+s25+$0x0] =	vst.idx.msk $0xffff, v26  }
.LBB2_19:
0x152: {  	p2 =	slt.u32 s31, $0x7E;
	[tilespmem:v17+s25+$0x0] =	vst.idx.msk $0xffff, v22;
	v22 =	vadd.s32 v1, v8;
	v11 =	vmul.f32 $8.000000000e+00, v11;
	v23 =	vld [tilespmem:s15+$0x30]  }
0x153: {  	v17 =	vmov s13;
	s13 =	smov.u32 s31;
	v24 =	vld [tilespmem:s30+$0xFFFFFFC0];
	[tilespmem:v16+s25+$0x0] =	vst.idx.msk $0xffff, v21;
	v21 =	vadd.s32 v2, v6;
	v12 =	vmul.f32 $8.000000000e+00, v12  }
0x154: {  	v27 =	vadd.s32 v3, v4;
	v4 =	vmovc v6;
	v25 =	vand.u32 $0x7E, v17;
	v16 =	vmul.f32 $8.000000000e+00, v19;
	v26 =	vld [tilespmem:s9+$0xFFFFFFD0];
	[tilespmem:v13+s25+$0x0] =	vst.idx.msk $0xffff, v11  }
.Ltmp10:
0x155: {  	v6 =	vmovc v8;
	v8 =	vmov v10;
	v17 =	vadd.s32 v0, v25;
	v13 =	vmul.f32 $8.000000000e+00, v18;
	v11 =	vld [tilespmem:s5+$0xFFFFFFE0];
	[tilespmem:v14+s25+$0x0] =	vst.idx.msk $0xffff, v12;
	(pc) =	sbr.rel @p2 .LBB2_19-.Ltmp10, $4  }
0x156: {  	s14 =	sadd.s32 $0x1, s31;
	s30 =	sadd.s32 $0x80, s30;
	[tilespmem:v20+s25+$0x0] =	vst.idx.msk $0xffff, v16;
	v16 =	vadd.s32 v1, v9;
	v14 =	vmul.f32 $8.000000000e+00, v15;
	v12 =	vld [tilespmem:s15+$0xFFFFFFF0];
	s15 =	smov.u32 s5  }
0x157: {  	v10 =	vmov s14;
	s5 =	smov.u32 s9;
	s9 =	smov.u32 s12;
	s12 =	smov.u32 s30;
	v19 =	vld [tilespmem:s30+$0x0];
	[tilespmem:v22+s25+$0x0] =	vst.idx.msk $0xffff, v13;
	v13 =	vadd.s32 v2, v7;
	v23 =	vmul.f32 $8.000000000e+00, v23  }
0x158: {  	v10 =	vand.u32 $0x7F, v10;
	v22 =	vmul.f32 $8.000000000e+00, v24;
	v18 =	vld [tilespmem:s9+$0x10];
	[tilespmem:v21+s25+$0x0] =	vst.idx.msk $0xffff, v14;
	v14 =	vadd.s32 v3, v5;
	v5 =	vmovc v7  }
0x159: {  	s31 =	sadd.s32 $0x2, s31;
	v20 =	vadd.s32 v0, v10;
	v7 =	vmovc v9;
	v9 =	vmov v25;
	v21 =	vmul.f32 $8.000000000e+00, v26;
	v15 =	vld [tilespmem:s5+$0x20];
	[tilespmem:v27+s25+$0x0] =	vst.idx.msk $0xffff, v23  }
0x15a: {  	v23 =	vmov s13;
	v24 =	vld [tilespmem:s30+$0xFFFFFFC0]  }
0x15b: {  	v23 =	vand.u32 $0x7E, v23  }
0x15c: {  	v25 =	vadd.s32 v0, v23;
	_ =	sdelay $0x1  }
0x15d: {  	v19 =	vmul.f32 $8.000000000e+00, v19  }
0x15e: {  	[tilespmem:v17+s25+$0x0] =	vst.idx.msk $0xffff, v22;
	v62 =	vmul.f32 $8.000000000e+00, v24  }
0x15f: {  	v22 =	vld [tilespmem:s9+$0xFFFFFFD0];
	[tilespmem:v20+s25+$0x0] =	vst.idx.msk $0xffff, v19  }
0x160: {  	v63 =	vadd.s32 v1, v8;
	v20 =	vld [tilespmem:s12+$0x10];
	[tilespmem:v25+s25+$0x0] =	vst.idx.msk $0xffff, v62  }
0x161: {  	v28 =	vadd.s32 v1, v9;
	v29 =	vld [tilespmem:s12+$0xFFFFFFD0]  }
0x162: {  	v30 =	vadd.s32 v1, v10  }
0x163: {  	v26 =	vadd.s32 v1, v23;
	v18 =	vmul.f32 $8.000000000e+00, v18  }
0x164: {  	[tilespmem:v16+s25+$0x0] =	vst.idx.msk $0xffff, v21;
	v31 =	vmul.f32 $8.000000000e+00, v22  }
0x165: {  	v32 =	vld [tilespmem:s5+$0xFFFFFFE0];
	[tilespmem:v63+s25+$0x0] =	vst.idx.msk $0xffff, v18;
	v33 =	vmul.f32 $8.000000000e+00, v20  }
0x166: {  	v34 =	vadd.s32 v2, v6;
	v35 =	vld [tilespmem:s9+$0x20];
	[tilespmem:v28+s25+$0x0] =	vst.idx.msk $0xffff, v31;
	v36 =	vmul.f32 $8.000000000e+00, v29  }
0x167: {  	v11 =	vmul.f32 $8.000000000e+00, v11;
	v37 =	vadd.s32 v2, v7;
	v38 =	vld [tilespmem:s9+$0xFFFFFFE0];
	[tilespmem:v30+s25+$0x0] =	vst.idx.msk $0xffff, v33  }
0x168: {  	v39 =	vadd.s32 v2, v8;
	v12 =	vmul.f32 $8.000000000e+00, v12;
	v40 =	vld [tilespmem:s12+$0x20];
	[tilespmem:v26+s25+$0x0] =	vst.idx.msk $0xffff, v36  }
0x169: {  	v42 =	vadd.s32 v2, v9;
	[tilespmem:v13+s25+$0x0] =	vst.idx.msk $0xffff, v11;
	v41 =	vmul.f32 $8.000000000e+00, v15;
	v43 =	vld [tilespmem:s12+$0xFFFFFFE0]  }
0x16a: {  	v44 =	vld [tilespmem:s15+$0x30];
	v46 =	vadd.s32 v2, v10;
	[tilespmem:v14+s25+$0x0] =	vst.idx.msk $0xffff, v12;
	v45 =	vmul.f32 $8.000000000e+00, v32  }
0x16b: {  	v49 =	vadd.s32 v2, v23;
	v47 =	vld [tilespmem:s15+$0xFFFFFFF0];
	[tilespmem:v34+s25+$0x0] =	vst.idx.msk $0xffff, v41;
	v48 =	vmul.f32 $8.000000000e+00, v35  }
0x16c: {  	v4 =	vadd.s32 v3, v4;
	[tilespmem:v37+s25+$0x0] =	vst.idx.msk $0xffff, v45;
	v20 =	vld [tilespmem:s5+$0x30];
	v50 =	vmul.f32 $8.000000000e+00, v38  }
0x16d: {  	v5 =	vadd.s32 v3, v5;
	v51 =	vld [tilespmem:s5+$0xFFFFFFF0];
	[tilespmem:v39+s25+$0x0] =	vst.idx.msk $0xffff, v48;
	v52 =	vmul.f32 $8.000000000e+00, v40  }
0x16e: {  	v53 =	vadd.s32 v3, v6;
	v54 =	vld [tilespmem:s9+$0x30];
	[tilespmem:v42+s25+$0x0] =	vst.idx.msk $0xffff, v50;
	v55 =	vmul.f32 $8.000000000e+00, v43  }
0x16f: {  	v57 =	vadd.s32 v3, v7;
	v56 =	vmul.f32 $8.000000000e+00, v44;
	v58 =	vld [tilespmem:s9+$0xFFFFFFF0];
	[tilespmem:v46+s25+$0x0] =	vst.idx.msk $0xffff, v52  }
0x170: {  	v60 =	vadd.s32 v3, v8;
	v59 =	vmul.f32 $8.000000000e+00, v47;
	v14 =	vld [tilespmem:s12+$0x30];
	[tilespmem:v49+s25+$0x0] =	vst.idx.msk $0xffff, v55  }
0x171: {  	v61 =	vadd.s32 v3, v9;
	[tilespmem:v4+s25+$0x0] =	vst.idx.msk $0xffff, v56;
	v4 =	vmul.f32 $8.000000000e+00, v20;
	v12 =	vld [tilespmem:s12+$0xFFFFFFF0]  }
0x172: {  	v62 =	vadd.s32 v3, v10;
	[tilespmem:v5+s25+$0x0] =	vst.idx.msk $0xffff, v59;
	v5 =	vmul.f32 $8.000000000e+00, v51  }
0x173: {  	v63 =	vadd.s32 v3, v23;
	[tilespmem:v53+s25+$0x0] =	vst.idx.msk $0xffff, v4;
	v4 =	vmul.f32 $8.000000000e+00, v54  }
0x174: {  	[tilespmem:v57+s25+$0x0] =	vst.idx.msk $0xffff, v5;
	v5 =	vmul.f32 $8.000000000e+00, v58  }
0x175: {  	[tilespmem:v60+s25+$0x0] =	vst.idx.msk $0xffff, v4;
	v4 =	vmul.f32 $8.000000000e+00, v14  }
0x176: {  	[tilespmem:v61+s25+$0x0] =	vst.idx.msk $0xffff, v5;
	v5 =	vmul.f32 $8.000000000e+00, v12  }
0x177: {  	[tilespmem:v62+s25+$0x0] =	vst.idx.msk $0xffff, v4  }
0x178: {  	s9 =	sadd.s32 s11, s8;
	s12 =	simm.s32 $0x12800;
	[tilespmem:v63+s25+$0x0] =	vst.idx.msk $0xffff, v5  }
0x179: {  	[hbm4b:s9+s3] =	stream.linear.scatter [tilespmem:s12], [sflag:$0x7], $0x80, $0x38;
	[tilespmem:$0x16C00] =	vst v63  }
0x17a: {  	s13 =	simm.s32 $0x12888;
	s11 =	sadd.s32 $0x10, s9  }
0x17b: {  	[hbm4b:s11+s3] =	stream.linear.scatter [tilespmem:s13], [sflag:$0x7], $0x80, $0x38;
	[tilespmem:$0x16C00] =	vst v63  }
0x17c: {  	s14 =	simm.s32 $0x12910;
	s30 =	simm.s32 $0x12998;
	s15 =	sadd.s32 $0x20, s9  }
0x17d: {  	[hbm4b:s15+s3] =	stream.linear.scatter [tilespmem:s14], [sflag:$0x7], $0x80, $0x38;
	[tilespmem:$0x16C00] =	vst v63  }
0x17e: {  	s5 =	simm.s32 $0x440;
	s31 =	sadd.s32 $0x30, s9;
	s12 =	simm.s32 $0x12A20  }
0x17f: {  	[hbm4b:s31+s3] =	stream.linear.scatter [tilespmem:s30], [sflag:$0x7], $0x80, $0x38;
	[tilespmem:$0x16C00] =	vst v63  }
0x180: {  	s13 =	sadd.s32 $0x40, s9;
	s11 =	simm.s32 $0x2200;
	s14 =	simm.s32 $0x12AA8  }
0x181: {  	[hbm4b:s13+s3] =	stream.linear.scatter [tilespmem:s12], [sflag:$0x7], $0x80, $0x38;
	[tilespmem:$0x16C00] =	vst v63  }
0x182: {  	s15 =	sadd.s32 $0x50, s9;
	s30 =	simm.s32 $0x12B30;
	s31 =	sadd.s32 $0x60, s9  }
0x183: {  	[hbm4b:s15+s3] =	stream.linear.scatter [tilespmem:s14], [sflag:$0x7], $0x80, $0x38;
	[tilespmem:$0x16C00] =	vst v63  }
0x184: {  	s12 =	simm.s32 $0x12BB8;
	s13 =	sadd.s32 $0x70, s9;
	s9 =	sadd.s32 $0x1000, s9  }
0x185: {  	[hbm4b:s31+s3] =	stream.linear.scatter [tilespmem:s30], [sflag:$0x7], $0x80, $0x38;
	[tilespmem:$0x16C00] =	vst v63  }
.LBB2_21:
0x186: {  	[hbm4b:s13+s3] =	stream.linear.scatter [tilespmem:s12], [sflag:$0x7], $0x80, $0x38;
	[tilespmem:$0x16C00] =	vst v63  }
0x187: {  	s12 =	smov.u32 s5;
	s5 =	smov.u32 s11  }
0x188: {  	s14 =	sadd.s32 $0x1100, s11;
	s5 =	sshra.s32 s5, $0x2;
	s13 =	sadd.s32 $0x12800, s12  }
0x189: {  	[hbm4b:s9+s3] =	stream.linear.scatter [tilespmem:s13], [sflag:$0x7], $0x80, $0x38;
	[tilespmem:$0x16C00] =	vst v63  }
0x18a: {  	p2 =	sne.s32 s11, $0x7700;
	s11 =	sadd.s32 $0x12888, s12;
	s13 =	sadd.s32 $0x10, s9  }
0x18b: {  	[hbm4b:s13+s3] =	stream.linear.scatter [tilespmem:s11], [sflag:$0x7], $0x80, $0x38;
	[tilespmem:$0x16C00] =	vst v63  }
0x18c: {  	s11 =	sadd.s32 $0x12910, s12;
	s13 =	sadd.s32 $0x20, s9  }
0x18d: {  	[hbm4b:s13+s3] =	stream.linear.scatter [tilespmem:s11], [sflag:$0x7], $0x80, $0x38;
	[tilespmem:$0x16C00] =	vst v63  }
0x18e: {  	s11 =	sadd.s32 $0x12998, s12;
	s13 =	sadd.s32 $0x30, s9  }
0x18f: {  	[hbm4b:s13+s3] =	stream.linear.scatter [tilespmem:s11], [sflag:$0x7], $0x80, $0x38;
	[tilespmem:$0x16C00] =	vst v63  }
0x190: {  	s11 =	sadd.s32 $0x12A20, s12;
	s13 =	sadd.s32 $0x40, s9  }
0x191: {  	[hbm4b:s13+s3] =	stream.linear.scatter [tilespmem:s11], [sflag:$0x7], $0x80, $0x38;
	[tilespmem:$0x16C00] =	vst v63  }
.Ltmp11:
0x192: {  	s11 =	sadd.s32 $0x12AA8, s12;
	s13 =	sadd.s32 $0x50, s9;
	(pc) =	sbr.rel @p2 .LBB2_21-.Ltmp11, $4  }
0x193: {  	[hbm4b:s13+s3] =	stream.linear.scatter [tilespmem:s11], [sflag:$0x7], $0x80, $0x38;
	[tilespmem:$0x16C00] =	vst v63  }
0x194: {  	s11 =	sadd.s32 $0x12B30, s12;
	s13 =	sadd.s32 $0x60, s9;
	s12 =	sadd.s32 $0x12BB8, s12  }
0x195: {  	[hbm4b:s13+s3] =	stream.linear.scatter [tilespmem:s11], [sflag:$0x7], $0x80, $0x38;
	[tilespmem:$0x16C00] =	vst v63  }
0x196: {  	s13 =	sadd.s32 $0x70, s9;
	s9 =	sadd.s32 $0x1000, s9;
	s11 =	smov.u32 s14  }
0x197: {  	[hbm4b:s13+s3] =	stream.linear.scatter [tilespmem:s12], [sflag:$0x7], $0x80, $0x38;
	[tilespmem:$0x16C00] =	vst v63  }
0x198: {  	s11 =	sadd.s32 $0x12800, s5  }
0x199: {  	[hbm4b:s9+s3] =	stream.linear.scatter [tilespmem:s11], [sflag:$0x7], $0x80, $0x38;
	[tilespmem:$0x16C00] =	vst v63  }
0x19a: {  	s30 =	sadd.s32 $0x12888, s5;
	s31 =	sadd.s32 $0x10, s9  }
0x19b: {  	[hbm4b:s31+s3] =	stream.linear.scatter [tilespmem:s30], [sflag:$0x7], $0x80, $0x38;
	[tilespmem:$0x16C00] =	vst v63  }
0x19c: {  	s12 =	sadd.s32 $0x12910, s5;
	s13 =	sadd.s32 $0x20, s9  }
0x19d: {  	[hbm4b:s13+s3] =	stream.linear.scatter [tilespmem:s12], [sflag:$0x7], $0x80, $0x38;
	[tilespmem:$0x16C00] =	vst v63  }
0x19e: {  	s14 =	sadd.s32 $0x12998, s5;
	s15 =	sadd.s32 $0x30, s9  }
0x19f: {  	[hbm4b:s15+s3] =	stream.linear.scatter [tilespmem:s14], [sflag:$0x7], $0x80, $0x38;
	[tilespmem:$0x16C00] =	vst v63  }
0x1a0: {  	s30 =	sadd.s32 $0x12A20, s5;
	s31 =	sadd.s32 $0x40, s9  }
0x1a1: {  	[hbm4b:s31+s3] =	stream.linear.scatter [tilespmem:s30], [sflag:$0x7], $0x80, $0x38;
	[tilespmem:$0x16C00] =	vst v63  }
0x1a2: {  	s12 =	sadd.s32 $0x12AA8, s5;
	s13 =	sadd.s32 $0x50, s9  }
0x1a3: {  	[hbm4b:s13+s3] =	stream.linear.scatter [tilespmem:s12], [sflag:$0x7], $0x80, $0x38;
	[tilespmem:$0x16C00] =	vst v63  }
.Ltmp12:
0x1a4: {  	_ = 	snop;
	(pc) =	sbr.rel @p1 .LBB2_24-.Ltmp12, $4  }
0x1a5: {  	s14 =	sadd.s32 $0x12B30, s5;
	s15 =	sadd.s32 $0x60, s9  }
0x1a6: {  	[hbm4b:s15+s3] =	stream.linear.scatter [tilespmem:s14], [sflag:$0x7], $0x80, $0x38;
	[tilespmem:$0x16C00] =	vst v63  }
0x1a7: {  	s30 =	sadd.s32 $0x12BB8, s5;
	s31 =	sadd.s32 $0x70, s9  }
0x1a8: {  	[hbm4b:s31+s3] =	stream.linear.scatter [tilespmem:s30], [sflag:$0x7], $0x80, $0x38;
	[tilespmem:$0x16C00] =	vst v63  }
.Ltmp13:
0x1a9: {  	(pc) =	sbr.rel .LBB2_25-.Ltmp13, $4  }
0x1aa: {  	_ = 	snop  }
0x1ab: {  	_ =	swait.ge [sflag:s26], $0x2000  }
0x1ac: {  	[sflag:s26] =	ssyncset.done $0x0  }
0x1ad: {  	[sflag:s26] =	ssyncadd.s32 $0xFFFFE000  }
.LBB2_24:
0x1ae: {  	s5 =	sshll.u32 s0, $0x9  }
0x1af: {  	s5 =	sand.u32 $0x3FFFFE00, s5  }
.Ltmp14:
0x1b0: {  	s5 =	sadd.s32 $0x300, s5;
	(pc) =	sbr.rel @p0 .LBB2_26-.Ltmp14, $4  }
0x1b1: {  	[tilespmem:s16], [sflag:$0x3] =	stream.indirect.gather [hbm4b:s4+s10], $0x40, s5, s10, $0xb8;
	[tilespmem:$0x16C00] =	vst v63  }
0x1b2: {  	_ =	swait.ge [sflag:s26], $0x2000  }
0x1b3: {  	[sflag:s26] =	ssyncset.done $0x0  }
0x1b4: {  	[sflag:s26] =	ssyncadd.s32 $0xFFFFE000  }
.LBB2_25:
0x1b5: {  	_ =	swait.ge [sflag:s28], $0x2000  }
0x1b6: {  	[sflag:s28] =	ssyncset.done $0x0  }
0x1b7: {  	[sflag:s28] =	ssyncadd.s32 $0xFFFFE000  }
.LBB2_26:
0x1b8: {  	s12 =	simm.s32 $0xC440;
	s5 =	simm.s32 $0x1  }
0x1b9: {  	v4 =	vmov s5;
	v5 =	vld [tilespmem:s12+$0x0]  }
0x1ba: {  	v9 =	vand.u32 $0x7F, v4  }
0x1bb: {  	v4 =	vadd.s32 v0, v9  }
0x1bc: {  	s31 =	simm.s32 $0x0  }
0x1bd: {  	v6 =	vmov s31;
	v7 =	vld [tilespmem:s12+$0xFFFFFFC0]  }
0x1be: {  	v14 =	vand.u32 $0x7E, v6;
	v5 =	vmul.f32 $8.000000000e+00, v5  }
0x1bf: {  	s9 =	simm.s32 $0x3;
	s11 =	simm.s32 $0xC4C0;
	v6 =	vadd.s32 v0, v14  }
0x1c0: {  	v8 =	vld [tilespmem:s11+$0x0];
	[tilespmem:v4+s29+$0x0] =	vst.idx.msk $0xffff, v5;
	v4 =	vmov s9  }
0x1c1: {  	v4 =	vand.u32 $0x7F, v4;
	v10 =	vld [tilespmem:s12+$0x10]  }
0x1c2: {  	v5 =	vmul.f32 $8.000000000e+00, v7;
	v7 =	vadd.s32 v0, v4  }
0x1c3: {  	s13 =	simm.s32 $0x2;
	v11 =	vadd.s32 v1, v9  }
0x1c4: {  	v12 =	vld [tilespmem:s11+$0xFFFFFFC0];
	[tilespmem:v6+s29+$0x0] =	vst.idx.msk $0xffff, v5;
	v5 =	vmov s13  }
0x1c5: {  	v6 =	vmul.f32 $8.000000000e+00, v8;
	v5 =	vand.u32 $0x7E, v5;
	v8 =	vld [tilespmem:s12+$0xFFFFFFD0]  }
0x1c6: {  	s5 =	simm.s32 $0xC540;
	s9 =	simm.s32 $0x5;
	v13 =	vadd.s32 v0, v5;
	v10 =	vmul.f32 $8.000000000e+00, v10  }
0x1c7: {  	v15 =	vld [tilespmem:s5+$0x0];
	[tilespmem:v7+s29+$0x0] =	vst.idx.msk $0xffff, v6;
	v7 =	vadd.s32 v1, v14;
	v6 =	vmov s9  }
0x1c8: {  	[tilespmem:v11+s29+$0x0] =	vst.idx.msk $0xffff, v10;
	v6 =	vand.u32 $0x7F, v6;
	v10 =	vld [tilespmem:s11+$0x10]  }
0x1c9: {  	v11 =	vmul.f32 $8.000000000e+00, v12;
	v12 =	vadd.s32 v0, v6;
	v16 =	vld [tilespmem:s12+$0x20]  }
0x1ca: {  	s14 =	simm.s32 $0x4;
	v17 =	vadd.s32 v1, v4;
	v8 =	vmul.f32 $8.000000000e+00, v8  }
0x1cb: {  	v18 =	vadd.s32 v2, v9;
	[tilespmem:v13+s29+$0x0] =	vst.idx.msk $0xffff, v11;
	v11 =	vmov s14;
	v13 =	vld [tilespmem:s5+$0xFFFFFFC0]  }
0x1cc: {  	[tilespmem:v7+s29+$0x0] =	vst.idx.msk $0xffff, v8;
	v7 =	vand.u32 $0x7E, v11;
	v8 =	vmul.f32 $8.000000000e+00, v15;
	v11 =	vld [tilespmem:s11+$0xFFFFFFD0]  }
0x1cd: {  	s13 =	simm.s32 $0x7;
	s9 =	simm.s32 $0xC5C0;
	v15 =	vadd.s32 v0, v7;
	v10 =	vmul.f32 $8.000000000e+00, v10;
	v19 =	vld [tilespmem:s12+$0xFFFFFFE0]  }
0x1ce: {  	v20 =	vld [tilespmem:s9+$0x0];
	[tilespmem:v12+s29+$0x0] =	vst.idx.msk $0xffff, v8;
	v12 =	vadd.s32 v1, v5;
	v16 =	vmul.f32 $8.000000000e+00, v16;
	v8 =	vmov s13  }
0x1cf: {  	[tilespmem:v17+s29+$0x0] =	vst.idx.msk $0xffff, v10;
	v10 =	vadd.s32 v2, v14;
	v8 =	vand.u32 $0x7F, v8;
	v17 =	vld [tilespmem:s5+$0x10]  }
0x1d0: {  	v13 =	vmul.f32 $8.000000000e+00, v13;
	[tilespmem:v18+s29+$0x0] =	vst.idx.msk $0xffff, v16;
	v16 =	vadd.s32 v0, v8;
	v18 =	vld [tilespmem:s11+$0x20]  }
0x1d1: {  	s15 =	simm.s32 $0x6;
	v21 =	vadd.s32 v1, v6;
	v11 =	vmul.f32 $8.000000000e+00, v11;
	v22 =	vld [tilespmem:s12+$0x30]  }
0x1d2: {  	v23 =	vadd.s32 v2, v4;
	[tilespmem:v15+s29+$0x0] =	vst.idx.msk $0xffff, v13;
	v13 =	vmul.f32 $8.000000000e+00, v19;
	v15 =	vld [tilespmem:s9+$0xFFFFFFC0];
	v19 =	vmov s15  }
0x1d3: {  	v25 =	vadd.s32 v3, v9;
	[tilespmem:v12+s29+$0x0] =	vst.idx.msk $0xffff, v11;
	v12 =	vmul.f32 $8.000000000e+00, v20;
	v24 =	vld [tilespmem:s5+$0xFFFFFFD0];
	v9 =	vand.u32 $0x7E, v19  }
0x1d4: {  	[tilespmem:v10+s29+$0x0] =	vst.idx.msk $0xffff, v13;
	v10 =	vmul.f32 $8.000000000e+00, v17;
	v11 =	vld [tilespmem:s11+$0xFFFFFFE0];
	v17 =	vadd.s32 v0, v9  }
0x1d5: {  	s31 =	simm.s32 $0x9;
	s15 =	simm.s32 $0xC640;
	[tilespmem:v16+s29+$0x0] =	vst.idx.msk $0xffff, v12;
	v20 =	vmul.f32 $8.000000000e+00, v18;
	v12 =	vld [tilespmem:s12+$0xFFFFFFF0];
	v16 =	vadd.s32 v1, v7  }
0x1d6: {  	v19 =	vld [tilespmem:s15+$0x0];
	v13 =	vadd.s32 v2, v5;
	v18 =	vmov s31;
	[tilespmem:v21+s29+$0x0] =	vst.idx.msk $0xffff, v10;
	v26 =	vmul.f32 $8.000000000e+00, v22  }
0x1d7: {  	v14 =	vadd.s32 v3, v14;
	v10 =	vand.u32 $0x7F, v18;
	v18 =	vld [tilespmem:s9+$0x10];
	v22 =	vmul.f32 $8.000000000e+00, v15;
	[tilespmem:v23+s29+$0x0] =	vst.idx.msk $0xffff, v20  }
0x1d8: {  	s30 =	simm.s32 $0xA;
	s13 =	simm.s32 $0x8;
	s12 =	simm.s32 $0xC640;
	v20 =	vadd.s32 v0, v10;
	v15 =	vld [tilespmem:s5+$0x20];
	v21 =	vmul.f32 $8.000000000e+00, v24;
	[tilespmem:v25+s29+$0x0] =	vst.idx.msk $0xffff, v26  }
.LBB2_27:
0x1d9: {  	p0 =	slt.u32 s30, $0x7E;
	[tilespmem:v17+s29+$0x0] =	vst.idx.msk $0xffff, v22;
	v22 =	vadd.s32 v1, v8;
	v11 =	vmul.f32 $8.000000000e+00, v11;
	v23 =	vld [tilespmem:s11+$0x30]  }
0x1da: {  	v17 =	vmov s13;
	s13 =	smov.u32 s30;
	v24 =	vld [tilespmem:s15+$0xFFFFFFC0];
	[tilespmem:v16+s29+$0x0] =	vst.idx.msk $0xffff, v21;
	v21 =	vadd.s32 v2, v6;
	v12 =	vmul.f32 $8.000000000e+00, v12  }
0x1db: {  	v27 =	vadd.s32 v3, v4;
	v4 =	vmovc v6;
	v25 =	vand.u32 $0x7E, v17;
	v16 =	vmul.f32 $8.000000000e+00, v19;
	v26 =	vld [tilespmem:s9+$0xFFFFFFD0];
	[tilespmem:v13+s29+$0x0] =	vst.idx.msk $0xffff, v11  }
.Ltmp15:
0x1dc: {  	v6 =	vmovc v8;
	v8 =	vmov v10;
	v17 =	vadd.s32 v0, v25;
	v13 =	vmul.f32 $8.000000000e+00, v18;
	v11 =	vld [tilespmem:s5+$0xFFFFFFE0];
	[tilespmem:v14+s29+$0x0] =	vst.idx.msk $0xffff, v12;
	(pc) =	sbr.rel @p0 .LBB2_27-.Ltmp15, $4  }
0x1dd: {  	s14 =	sadd.s32 $0x1, s30;
	s15 =	sadd.s32 $0x80, s15;
	[tilespmem:v20+s29+$0x0] =	vst.idx.msk $0xffff, v16;
	v16 =	vadd.s32 v1, v9;
	v14 =	vmul.f32 $8.000000000e+00, v15;
	v12 =	vld [tilespmem:s11+$0xFFFFFFF0];
	s11 =	smov.u32 s5  }
0x1de: {  	v10 =	vmov s14;
	s5 =	smov.u32 s9;
	s9 =	smov.u32 s12;
	s12 =	smov.u32 s15;
	v19 =	vld [tilespmem:s15+$0x0];
	[tilespmem:v22+s29+$0x0] =	vst.idx.msk $0xffff, v13;
	v13 =	vadd.s32 v2, v7;
	v23 =	vmul.f32 $8.000000000e+00, v23  }
0x1df: {  	v10 =	vand.u32 $0x7F, v10;
	v22 =	vmul.f32 $8.000000000e+00, v24;
	v18 =	vld [tilespmem:s9+$0x10];
	[tilespmem:v21+s29+$0x0] =	vst.idx.msk $0xffff, v14;
	v14 =	vadd.s32 v3, v5;
	v5 =	vmovc v7  }
0x1e0: {  	s30 =	sadd.s32 $0x2, s30;
	v20 =	vadd.s32 v0, v10;
	v7 =	vmovc v9;
	v9 =	vmov v25;
	v21 =	vmul.f32 $8.000000000e+00, v26;
	v15 =	vld [tilespmem:s5+$0x20];
	[tilespmem:v27+s29+$0x0] =	vst.idx.msk $0xffff, v23  }
0x1e1: {  	v23 =	vmov s13;
	v24 =	vld [tilespmem:s15+$0xFFFFFFC0]  }
0x1e2: {  	v23 =	vand.u32 $0x7E, v23  }
0x1e3: {  	v25 =	vadd.s32 v0, v23;
	_ =	sdelay $0x1  }
0x1e4: {  	v19 =	vmul.f32 $8.000000000e+00, v19  }
0x1e5: {  	[tilespmem:v17+s29+$0x0] =	vst.idx.msk $0xffff, v22;
	v62 =	vmul.f32 $8.000000000e+00, v24  }
0x1e6: {  	v22 =	vld [tilespmem:s9+$0xFFFFFFD0];
	[tilespmem:v20+s29+$0x0] =	vst.idx.msk $0xffff, v19  }
0x1e7: {  	v63 =	vadd.s32 v1, v8;
	v20 =	vld [tilespmem:s12+$0x10];
	[tilespmem:v25+s29+$0x0] =	vst.idx.msk $0xffff, v62  }
0x1e8: {  	v28 =	vadd.s32 v1, v9;
	v29 =	vld [tilespmem:s12+$0xFFFFFFD0]  }
0x1e9: {  	v30 =	vadd.s32 v1, v10  }
0x1ea: {  	v26 =	vadd.s32 v1, v23;
	v18 =	vmul.f32 $8.000000000e+00, v18  }
0x1eb: {  	[tilespmem:v16+s29+$0x0] =	vst.idx.msk $0xffff, v21;
	v31 =	vmul.f32 $8.000000000e+00, v22  }
0x1ec: {  	v32 =	vld [tilespmem:s5+$0xFFFFFFE0];
	[tilespmem:v63+s29+$0x0] =	vst.idx.msk $0xffff, v18;
	v33 =	vmul.f32 $8.000000000e+00, v20  }
0x1ed: {  	v34 =	vadd.s32 v2, v6;
	v35 =	vld [tilespmem:s9+$0x20];
	[tilespmem:v28+s29+$0x0] =	vst.idx.msk $0xffff, v31;
	v36 =	vmul.f32 $8.000000000e+00, v29  }
0x1ee: {  	v11 =	vmul.f32 $8.000000000e+00, v11;
	v37 =	vadd.s32 v2, v7;
	v38 =	vld [tilespmem:s9+$0xFFFFFFE0];
	[tilespmem:v30+s29+$0x0] =	vst.idx.msk $0xffff, v33  }
0x1ef: {  	v39 =	vadd.s32 v2, v8;
	v12 =	vmul.f32 $8.000000000e+00, v12;
	v40 =	vld [tilespmem:s12+$0x20];
	[tilespmem:v26+s29+$0x0] =	vst.idx.msk $0xffff, v36  }
0x1f0: {  	v42 =	vadd.s32 v2, v9;
	[tilespmem:v13+s29+$0x0] =	vst.idx.msk $0xffff, v11;
	v41 =	vmul.f32 $8.000000000e+00, v15;
	v43 =	vld [tilespmem:s12+$0xFFFFFFE0]  }
0x1f1: {  	v44 =	vld [tilespmem:s11+$0x30];
	v46 =	vadd.s32 v2, v10;
	[tilespmem:v14+s29+$0x0] =	vst.idx.msk $0xffff, v12;
	v45 =	vmul.f32 $8.000000000e+00, v32  }
0x1f2: {  	v49 =	vadd.s32 v2, v23;
	v47 =	vld [tilespmem:s11+$0xFFFFFFF0];
	[tilespmem:v34+s29+$0x0] =	vst.idx.msk $0xffff, v41;
	v48 =	vmul.f32 $8.000000000e+00, v35  }
0x1f3: {  	v4 =	vadd.s32 v3, v4;
	[tilespmem:v37+s29+$0x0] =	vst.idx.msk $0xffff, v45;
	v20 =	vld [tilespmem:s5+$0x30];
	v50 =	vmul.f32 $8.000000000e+00, v38  }
0x1f4: {  	v5 =	vadd.s32 v3, v5;
	v51 =	vld [tilespmem:s5+$0xFFFFFFF0];
	[tilespmem:v39+s29+$0x0] =	vst.idx.msk $0xffff, v48;
	v52 =	vmul.f32 $8.000000000e+00, v40  }
0x1f5: {  	v53 =	vadd.s32 v3, v6;
	v54 =	vld [tilespmem:s9+$0x30];
	[tilespmem:v42+s29+$0x0] =	vst.idx.msk $0xffff, v50;
	v55 =	vmul.f32 $8.000000000e+00, v43  }
0x1f6: {  	v57 =	vadd.s32 v3, v7;
	v56 =	vmul.f32 $8.000000000e+00, v44;
	v58 =	vld [tilespmem:s9+$0xFFFFFFF0];
	[tilespmem:v46+s29+$0x0] =	vst.idx.msk $0xffff, v52  }
0x1f7: {  	v60 =	vadd.s32 v3, v8;
	v59 =	vmul.f32 $8.000000000e+00, v47;
	v14 =	vld [tilespmem:s12+$0x30];
	[tilespmem:v49+s29+$0x0] =	vst.idx.msk $0xffff, v55  }
0x1f8: {  	v61 =	vadd.s32 v3, v9;
	[tilespmem:v4+s29+$0x0] =	vst.idx.msk $0xffff, v56;
	v4 =	vmul.f32 $8.000000000e+00, v20;
	v12 =	vld [tilespmem:s12+$0xFFFFFFF0]  }
0x1f9: {  	v62 =	vadd.s32 v3, v10;
	[tilespmem:v5+s29+$0x0] =	vst.idx.msk $0xffff, v59;
	v5 =	vmul.f32 $8.000000000e+00, v51  }
0x1fa: {  	v63 =	vadd.s32 v3, v23;
	[tilespmem:v53+s29+$0x0] =	vst.idx.msk $0xffff, v4;
	v4 =	vmul.f32 $8.000000000e+00, v54  }
0x1fb: {  	[tilespmem:v57+s29+$0x0] =	vst.idx.msk $0xffff, v5;
	v5 =	vmul.f32 $8.000000000e+00, v58  }
0x1fc: {  	s1 =	sshll.u32 s1, $0x12;
	[tilespmem:v60+s29+$0x0] =	vst.idx.msk $0xffff, v4;
	v4 =	vmul.f32 $8.000000000e+00, v14  }
0x1fd: {  	s1 =	sor.u32 s6, s1;
	[tilespmem:v61+s29+$0x0] =	vst.idx.msk $0xffff, v5;
	v5 =	vmul.f32 $8.000000000e+00, v12  }
0x1fe: {  	s1 =	sshrl.u32 s1, $0x3;
	[tilespmem:v62+s29+$0x0] =	vst.idx.msk $0xffff, v4  }
0x1ff: {  	s13 =	simm.s32 $0x14A00;
	s5 =	sadd.s32 s2, s1;
	[tilespmem:v63+s29+$0x0] =	vst.idx.msk $0xffff, v5  }
0x200: {  	[hbm4b:s5+s3] =	stream.linear.scatter [tilespmem:s13], [sflag:$0x8], $0x80, $0x38;
	[tilespmem:$0x16C00] =	vst v63  }
0x201: {  	s14 =	simm.s32 $0x14A88;
	s15 =	sadd.s32 $0x10, s5  }
0x202: {  	[hbm4b:s15+s3] =	stream.linear.scatter [tilespmem:s14], [sflag:$0x8], $0x80, $0x38;
	[tilespmem:$0x16C00] =	vst v63  }
0x203: {  	s30 =	simm.s32 $0x14B10;
	s1 =	simm.s32 $0x440;
	s31 =	sadd.s32 $0x20, s5  }
0x204: {  	[hbm4b:s31+s3] =	stream.linear.scatter [tilespmem:s30], [sflag:$0x8], $0x80, $0x38;
	[tilespmem:$0x16C00] =	vst v63  }
0x205: {  	s11 =	sadd.s32 $0x30, s5;
	s9 =	simm.s32 $0x14B98;
	s12 =	simm.s32 $0x14C20  }
0x206: {  	[hbm4b:s11+s3] =	stream.linear.scatter [tilespmem:s9], [sflag:$0x8], $0x80, $0x38;
	[tilespmem:$0x16C00] =	vst v63  }
0x207: {  	s13 =	sadd.s32 $0x40, s5;
	s14 =	simm.s32 $0x14CA8;
	s15 =	sadd.s32 $0x50, s5  }
0x208: {  	[hbm4b:s13+s3] =	stream.linear.scatter [tilespmem:s12], [sflag:$0x8], $0x80, $0x38;
	[tilespmem:$0x16C00] =	vst v63  }
0x209: {  	s30 =	simm.s32 $0x14D30;
	s31 =	sadd.s32 $0x60, s5;
	s9 =	simm.s32 $0x2200  }
0x20a: {  	[hbm4b:s15+s3] =	stream.linear.scatter [tilespmem:s14], [sflag:$0x8], $0x80, $0x38;
	[tilespmem:$0x16C00] =	vst v63  }
0x20b: {  	s11 =	simm.s32 $0x14DB8;
	s12 =	sadd.s32 $0x70, s5;
	s5 =	sadd.s32 $0x1000, s5  }
0x20c: {  	[hbm4b:s31+s3] =	stream.linear.scatter [tilespmem:s30], [sflag:$0x8], $0x80, $0x38;
	[tilespmem:$0x16C00] =	vst v63  }
.LBB2_29:
0x20d: {  	[hbm4b:s12+s3] =	stream.linear.scatter [tilespmem:s11], [sflag:$0x8], $0x80, $0x38;
	[tilespmem:$0x16C00] =	vst v63  }
0x20e: {  	s11 =	smov.u32 s1;
	s1 =	smov.u32 s9  }
0x20f: {  	s13 =	sadd.s32 $0x1100, s9;
	s1 =	sshra.s32 s1, $0x2;
	s12 =	sadd.s32 $0x14A00, s11  }
0x210: {  	[hbm4b:s5+s3] =	stream.linear.scatter [tilespmem:s12], [sflag:$0x8], $0x80, $0x38;
	[tilespmem:$0x16C00] =	vst v63  }
0x211: {  	p0 =	sne.s32 s9, $0x7700;
	s9 =	sadd.s32 $0x14A88, s11;
	s12 =	sadd.s32 $0x10, s5  }
0x212: {  	[hbm4b:s12+s3] =	stream.linear.scatter [tilespmem:s9], [sflag:$0x8], $0x80, $0x38;
	[tilespmem:$0x16C00] =	vst v63  }
0x213: {  	s9 =	sadd.s32 $0x14B10, s11;
	s12 =	sadd.s32 $0x20, s5  }
0x214: {  	[hbm4b:s12+s3] =	stream.linear.scatter [tilespmem:s9], [sflag:$0x8], $0x80, $0x38;
	[tilespmem:$0x16C00] =	vst v63  }
0x215: {  	s9 =	sadd.s32 $0x14B98, s11;
	s12 =	sadd.s32 $0x30, s5  }
0x216: {  	[hbm4b:s12+s3] =	stream.linear.scatter [tilespmem:s9], [sflag:$0x8], $0x80, $0x38;
	[tilespmem:$0x16C00] =	vst v63  }
0x217: {  	s9 =	sadd.s32 $0x14C20, s11;
	s12 =	sadd.s32 $0x40, s5  }
0x218: {  	[hbm4b:s12+s3] =	stream.linear.scatter [tilespmem:s9], [sflag:$0x8], $0x80, $0x38;
	[tilespmem:$0x16C00] =	vst v63  }
.Ltmp16:
0x219: {  	s9 =	sadd.s32 $0x14CA8, s11;
	s12 =	sadd.s32 $0x50, s5;
	(pc) =	sbr.rel @p0 .LBB2_29-.Ltmp16, $4  }
0x21a: {  	[hbm4b:s12+s3] =	stream.linear.scatter [tilespmem:s9], [sflag:$0x8], $0x80, $0x38;
	[tilespmem:$0x16C00] =	vst v63  }
0x21b: {  	s9 =	sadd.s32 $0x14D30, s11;
	s12 =	sadd.s32 $0x60, s5;
	s11 =	sadd.s32 $0x14DB8, s11  }
0x21c: {  	[hbm4b:s12+s3] =	stream.linear.scatter [tilespmem:s9], [sflag:$0x8], $0x80, $0x38;
	[tilespmem:$0x16C00] =	vst v63  }
0x21d: {  	s12 =	sadd.s32 $0x70, s5;
	s5 =	sadd.s32 $0x1000, s5;
	s9 =	smov.u32 s13  }
0x21e: {  	[hbm4b:s12+s3] =	stream.linear.scatter [tilespmem:s11], [sflag:$0x8], $0x80, $0x38;
	[tilespmem:$0x16C00] =	vst v63  }
0x21f: {  	s9 =	sadd.s32 $0x14A00, s1  }
0x220: {  	[hbm4b:s5+s3] =	stream.linear.scatter [tilespmem:s9], [sflag:$0x8], $0x80, $0x38;
	[tilespmem:$0x16C00] =	vst v63  }
0x221: {  	s30 =	sadd.s32 $0x14A88, s1;
	s31 =	sadd.s32 $0x10, s5  }
0x222: {  	[hbm4b:s31+s3] =	stream.linear.scatter [tilespmem:s30], [sflag:$0x8], $0x80, $0x38;
	[tilespmem:$0x16C00] =	vst v63  }
0x223: {  	s12 =	sadd.s32 $0x14B10, s1;
	s13 =	sadd.s32 $0x20, s5  }
0x224: {  	[hbm4b:s13+s3] =	stream.linear.scatter [tilespmem:s12], [sflag:$0x8], $0x80, $0x38;
	[tilespmem:$0x16C00] =	vst v63  }
0x225: {  	s14 =	sadd.s32 $0x14B98, s1;
	s15 =	sadd.s32 $0x30, s5  }
0x226: {  	[hbm4b:s15+s3] =	stream.linear.scatter [tilespmem:s14], [sflag:$0x8], $0x80, $0x38;
	[tilespmem:$0x16C00] =	vst v63  }
0x227: {  	s0 =	sadd.s32 $0x1, s0;
	s30 =	sadd.s32 $0x14C20, s1;
	s31 =	sadd.s32 $0x40, s5  }
0x228: {  	[hbm4b:s31+s3] =	stream.linear.scatter [tilespmem:s30], [sflag:$0x8], $0x80, $0x38;
	[tilespmem:$0x16C00] =	vst v63  }
0x229: {  	p0 =	sne.s32 s0, $0x32;
	s12 =	sadd.s32 $0x14CA8, s1;
	s13 =	sadd.s32 $0x50, s5  }
0x22a: {  	[hbm4b:s13+s3] =	stream.linear.scatter [tilespmem:s12], [sflag:$0x8], $0x80, $0x38;
	[tilespmem:$0x16C00] =	vst v63  }
.Ltmp17:
0x22b: {  	_ = 	snop;
	(pc) =	sbr.rel @p0 .LBB2_2-.Ltmp17, $4  }
0x22c: {  	s14 =	sadd.s32 $0x14D30, s1;
	s15 =	sadd.s32 $0x60, s5  }
0x22d: {  	[hbm4b:s15+s3] =	stream.linear.scatter [tilespmem:s14], [sflag:$0x8], $0x80, $0x38;
	[tilespmem:$0x16C00] =	vst v63  }
0x22e: {  	s30 =	sadd.s32 $0x14DB8, s1;
	s31 =	sadd.s32 $0x70, s5  }
0x22f: {  	[hbm4b:s31+s3] =	stream.linear.scatter [tilespmem:s30], [sflag:$0x8], $0x80, $0x38;
	[tilespmem:$0x16C00] =	vst v63  }
0x230: {  	s0 =	simm.s32 $0x5  }
0x231: {  	_ =	swait.ge [sflag:s0], $0x2000  }
0x232: {  	[sflag:s0] =	ssyncset.done $0x0  }
0x233: {  	[sflag:s0] =	ssyncadd.s32 $0xFFFFE000  }
0x234: {  	_ =	swait.ge [sflag:s21], $0x2000  }
0x235: {  	[sflag:s21] =	ssyncset.done $0x0  }
0x236: {  	[sflag:s21] =	ssyncadd.s32 $0xFFFFE000  }
0x237: {  	_ =	swait.ge [sflag:s24], $0x2000  }
0x238: {  	[sflag:s24] =	ssyncset.done $0x0  }
0x239: {  	[sflag:s24] =	ssyncadd.s32 $0xFFFFE000  }
0x23a: {  	_ =	swait.ge [sflag:s28], $0x2000  }
0x23b: {  	s1 =	rddreg [dreg:$0x5]  }
0x23c: {  	s31 =	rddreg [dreg:$0x4];
	s1 =	sadd.s32 $0x1, s1  }
0x23d: {  	p0 =	sne.s32 s1, s31  }
.Ltmp18:
0x23e: {  	_ = 	snop;
	(pc) =	sbr.rel @p0 .LBB2_1-.Ltmp18, $3  }
0x23f: {  	_ =	sdelay $0x1  }
0x240: {  	[sflag:s28] =	ssyncset.done $0x0  }
0x241: {  	[sflag:s28] =	ssyncadd.s32 $0xFFFFE000  }
0x242: {  	_ =	sfence.sel $0x180000  }
0x243: {  	[bflag:$0x0] =	sbarrier.arrive $0xFFFF  }
0x244: {  	_ =	strace $0x90000047  }
0x245: {  	s0 =	stileid.u32;
	[bflag:$0x2] =	sbarrier.arrive $0xFFFF  }
0x246: {  	p0 =	sne.s32 s0, $0x0;
	s0 =	rddreg [dreg:$0x2]  }
0x247: {  	s0 =	sadd.s32 @!p0 $0x100000, s0  }
0x248: {  	[sflag:s0] =	ssyncadd.tile.s32 @!p0 $0x1;
	_ =	shalt  }
.Lfunc_end2:
_tile_overlayer_lowered:
.L_overlay_start_2:
0x249: {  	(tag) =	ssettag $0x2  }
0x24a: {  	s0 =	rddreg [dreg:$0x0];
	s2 =	stileid.u32  }
0x24b: {  	s1 =	rddreg [dreg:$0x1];
	p0 =	sne.s32 s2, $0x0  }
0x24c: {  	s3 =	rddreg [dreg:$0x2];
	[bflag:$0x3] =	sbarrier.arrive $0xFFFF;
	s2 =	simm.s32 @!p0 $0x1C09  }
0x24d: {  	[timem:s3], [sflag:s2] =	dma.local @!p0 [hbm:s0], s1  }
0x24e: {  	s0 =	simm.s32 @!p0 $0x9  }
0x24f: {  	_ =	swait.ge @!p0 [sflag:s0], s1  }
0x250: {  	s1 =	ssub.s32 @!p0 $0x0, s1;
	[sflag:s0] =	ssyncset.done @!p0 $0x0  }
0x251: {  	[sflag:s0] =	ssyncadd.s32 @!p0 s1  }
0x252: {  	[bflag:$0x3] =	sbarrier.arrive $0xFFFF  }
0x253: {  	_ =	shalt  }

</sc_bundles>
